<compile_context>
chip_gen: v7x
topology: tpu7x:2x2x1
jax: 0.10.2.dev20260603
libtpu: 0.0.44.dev20260713+nightly
codegen_flags: <defaults>
</compile_context>

<pallas_src>
import jax
import jax.numpy as jnp
from jax import lax
from jax.experimental import pallas as pl
from jax.experimental.pallas import tpu as pltpu
from jax.experimental.pallas import tpu_sc as plsc

B = 4096
C = 26
NC = 1000
NWORK = 32
BPW = B // NWORK
KC = 200
KCH = NC // KC
NBLK = C * KCH
L = 16


def _sc_body(xt_hbm, out_hbm, idx_v, buf0, buf1, sem0, sem1):
    wid = lax.axis_index("s") * 2 + lax.axis_index("c")
    b0 = wid * BPW

    pltpu.sync_copy(xt_hbm.at[:, pl.ds(b0, BPW)], idx_v)

    zeros = jnp.zeros((L,), jnp.float32)
    ones = jnp.ones((L,), jnp.float32)
    lanes = lax.iota(jnp.int32, L)

    def _zero(buf):
        def body(r, _):
            for j in range(BPW // L):
                buf[r, pl.ds(j * L, L)] = zeros
            return 0
        lax.fori_loop(0, KC, body, 0)

    def _scatter(buf, n, val):
        c = n // KCH
        k0 = (n % KCH) * KC
        for j in range(BPW // L):
            v = idx_v[c, pl.ds(j * L, L)]
            kk = v - k0
            msk = (kk >= 0) & (kk < KC)
            plsc.store_scatter(buf, [kk, j * L + lanes], val, mask=msk)

    def _dma(buf, sem, n):
        c = n // KCH
        k0 = (n % KCH) * KC
        return pltpu.make_async_copy(
            buf, out_hbm.at[c, pl.ds(k0, KC), pl.ds(b0, BPW)], sem)

    _zero(buf0)
    _scatter(buf0, 0, ones)
    _dma(buf0, sem0, 0).start()
    _zero(buf1)
    _scatter(buf1, 1, ones)
    _dma(buf1, sem1, 1).start()

    def _pair(i, _):
        n0 = 2 * i
        _dma(buf0, sem0, n0 - 2).wait()
        _scatter(buf0, n0 - 2, zeros)
        _scatter(buf0, n0, ones)
        _dma(buf0, sem0, n0).start()
        n1 = 2 * i + 1
        _dma(buf1, sem1, n1 - 2).wait()
        _scatter(buf1, n1 - 2, zeros)
        _scatter(buf1, n1, ones)
        _dma(buf1, sem1, n1).start()
        return 0

    lax.fori_loop(1, NBLK // 2, _pair, 0)

    _dma(buf0, sem0, NBLK - 2).wait()
    _dma(buf1, sem1, NBLK - 1).wait()


@jax.jit
def kernel(x):
    mesh = plsc.VectorSubcoreMesh(core_axis_name="c", subcore_axis_name="s")
    run = pl.kernel(
        _sc_body,
        mesh=mesh,
        compiler_params=pltpu.CompilerParams(needs_layout_passes=False),
        out_type=jax.ShapeDtypeStruct((C, NC, B), jnp.float32),
        scratch_types=[
            pltpu.VMEM((C, BPW), jnp.int32),
            pltpu.VMEM((KC, BPW), jnp.float32),
            pltpu.VMEM((KC, BPW), jnp.float32),
            pltpu.SemaphoreType.DMA,
            pltpu.SemaphoreType.DMA,
        ],
    )
    out = run(x.T.astype(jnp.int32))
    return out.transpose(2, 0, 1)

# --- scband reference (transcript-rebuilt; emitter-appended) ---
"""Pipeline reference for scband-one-hot-21303037788271 (READ-ONLY COPY).

The authoritative reference and input builder live on the scoring server;
editing this copy changes nothing except your own understanding.
"""

import jax, jax.numpy as jnp
import numpy as np

NUM_CLASSES = 1000

def setup_inputs(seed: int = 0) -> dict:
    key = jax.random.key(seed)
    x = jax.random.randint(key, (4096, 26), 0, NUM_CLASSES, dtype=jnp.int64 if jax.config.jax_enable_x64 else jnp.int32)
    return {"x": x}

def reference(x) -> jnp.ndarray:
    # Faithful translation of OneHot.__call__: jax.nn.one_hot(x, num_classes)
    return jax.nn.one_hot(x, num_classes=NUM_CLASSES)

if __name__ == "__main__":
    import jax
    _d = setup_inputs()
    print(jax.jit(kernel)(*tuple(_d.values())))

</pallas_src>

<mosaic_0001>
#map = affine_map<(d0, d1) -> (0, 0)>
#map1 = affine_map<(d0, d1) -> (0, 0, 0)>
module attributes {stable_mosaic.version = 14 : i64} {
  func.func @_sc_body(%arg0: i32, %arg1: i32, %arg2: memref<26x4096xi32, #tpu.memory_space<hbm>>, %arg3: memref<26x1000x4096xf32, #tpu.memory_space<hbm>>, %arg4: memref<26x128xi32, #tpu.memory_space<vmem>>, %arg5: memref<200x128xf32, #tpu.memory_space<vmem>>, %arg6: memref<200x128xf32, #tpu.memory_space<vmem>>, %arg7: memref<!tpu.dma_semaphore, #tpu.memory_space<semaphore_mem>>, %arg8: memref<!tpu.dma_semaphore, #tpu.memory_space<semaphore_mem>>) attributes {dimension_semantics = [#tpu.dimension_semantics<core_parallel>, #tpu.dimension_semantics<subcore_parallel>], iteration_bounds = array<i64: 2, 16>, scalar_prefetch = 0 : i64, scratch_operands = 5 : i64, tpu.core_type = #tpu.core_type<sc_vector_subcore>, window_params = [{transform_indices = #map}, {transform_indices = #map1}]} {
    %mul3A = arith.constant 2 : i32
    %mul3A_0 = arith.muli %arg1, %mul3A : i32
    %add3A = arith.addi %mul3A_0, %arg0 : i32
    %mul3A_1 = arith.constant 128 : i32
    %mul3A_2 = arith.muli %add3A, %mul3A_1 : i32
    "tpu.region"() ({
      %run_scoped3A = tpu.sem_alloc : memref<!tpu.dma_semaphore, #tpu.memory_space<semaphore_mem>>
      %dma_start3A_319 = arith.constant 0 : i32
      %dma_start3A_320 = tpu.memref_slice %arg2[%dma_start3A_319, %mul3A_2] : memref<26x4096xi32, #tpu.memory_space<hbm>> -> memref<26x128xi32, #tpu.memory_space<hbm>>
      %dma_start3A_321 = arith.constant 0 : i32
      %dma_start3A_322 = tpu.memref_slice %arg2[%dma_start3A_321, %mul3A_2] : memref<26x4096xi32, #tpu.memory_space<hbm>> -> memref<26x128xi32, #tpu.memory_space<hbm>>
      tpu.enqueue_dma source(%dma_start3A_322 : memref<26x128xi32, #tpu.memory_space<hbm>>) target(%arg4 : memref<26x128xi32, #tpu.memory_space<vmem>>) target_semaphore(%run_scoped3A : memref<!tpu.dma_semaphore, #tpu.memory_space<semaphore_mem>>)
      %dma_wait3A_323 = arith.constant 0 : i32
      %dma_wait3A_324 = tpu.memref_slice %arg2[%dma_wait3A_323, %mul3A_2] : memref<26x4096xi32, #tpu.memory_space<hbm>> -> memref<26x128xi32, #tpu.memory_space<hbm>>
      %dma_wait3A_325 = arith.constant 0 : i32
      %dma_wait3A_326 = tpu.memref_slice %arg2[%dma_wait3A_325, %mul3A_2] : memref<26x4096xi32, #tpu.memory_space<hbm>> -> memref<26x128xi32, #tpu.memory_space<hbm>>
      tpu.wait_dma2 semaphore(%run_scoped3A : memref<!tpu.dma_semaphore, #tpu.memory_space<semaphore_mem>>) src(%dma_wait3A_326 : memref<26x128xi32, #tpu.memory_space<hbm>>) dst(%arg4 : memref<26x128xi32, #tpu.memory_space<vmem>>)
      tpu.yield
    }) : () -> ()
    %broadcast_in_dim3A = arith.constant 0.000000e+00 : f32
    %broadcast_in_dim3A_3 = vector.broadcast %broadcast_in_dim3A : f32 to vector<16xf32>
    %broadcast_in_dim3A_4 = arith.constant 1.000000e+00 : f32
    %broadcast_in_dim3A_5 = vector.broadcast %broadcast_in_dim3A_4 : f32 to vector<16xf32>
    %iota3A = tpu.iota {dimensions = array<i32: 0>} : vector<16xi32>
    %scan3A = arith.constant 0 : i32
    %scan3A_6 = arith.constant 0 : i32
    %scan3A_7 = arith.constant 200 : i32
    %scan3A_8 = arith.addi %scan3A_6, %scan3A_7 : i32
    %scan3A_9 = arith.constant 1 : i32
    %scan3A_10 = scf.for %scan3A_319 = %scan3A_6 to %scan3A_8 step %scan3A_9 iter_args(%scan3A_320 = %scan3A) -> (i32)  : i32 {
      %swap3A = arith.index_cast %scan3A_319 : i32 to index
      %swap3A_321 = arith.constant 0 : index
      %swap3A_322 = tpu.vector_load %arg5[%swap3A, %swap3A_321] {strides = array<i32>} : memref<200x128xf32, #tpu.memory_space<vmem>>, vector<16xf32>,
      tpu.vector_store %arg5[%swap3A, %swap3A_321], %broadcast_in_dim3A_3 {strides = array<i32>} : memref<200x128xf32, #tpu.memory_space<vmem>>, vector<16xf32>,
      %swap3A_323 = arith.index_cast %scan3A_319 : i32 to index
      %swap3A_324 = arith.constant 16 : index
      %swap3A_325 = tpu.vector_load %arg5[%swap3A_323, %swap3A_324] {strides = array<i32>} : memref<200x128xf32, #tpu.memory_space<vmem>>, vector<16xf32>,
      tpu.vector_store %arg5[%swap3A_323, %swap3A_324], %broadcast_in_dim3A_3 {strides = array<i32>} : memref<200x128xf32, #tpu.memory_space<vmem>>, vector<16xf32>,
      %swap3A_326 = arith.index_cast %scan3A_319 : i32 to index
      %swap3A_327 = arith.constant 32 : index
      %swap3A_328 = tpu.vector_load %arg5[%swap3A_326, %swap3A_327] {strides = array<i32>} : memref<200x128xf32, #tpu.memory_space<vmem>>, vector<16xf32>,
      tpu.vector_store %arg5[%swap3A_326, %swap3A_327], %broadcast_in_dim3A_3 {strides = array<i32>} : memref<200x128xf32, #tpu.memory_space<vmem>>, vector<16xf32>,
      %swap3A_329 = arith.index_cast %scan3A_319 : i32 to index
      %swap3A_330 = arith.constant 48 : index
      %swap3A_331 = tpu.vector_load %arg5[%swap3A_329, %swap3A_330] {strides = array<i32>} : memref<200x128xf32, #tpu.memory_space<vmem>>, vector<16xf32>,
      tpu.vector_store %arg5[%swap3A_329, %swap3A_330], %broadcast_in_dim3A_3 {strides = array<i32>} : memref<200x128xf32, #tpu.memory_space<vmem>>, vector<16xf32>,
      %swap3A_332 = arith.index_cast %scan3A_319 : i32 to index
      %swap3A_333 = arith.constant 64 : index
      %swap3A_334 = tpu.vector_load %arg5[%swap3A_332, %swap3A_333] {strides = array<i32>} : memref<200x128xf32, #tpu.memory_space<vmem>>, vector<16xf32>,
      tpu.vector_store %arg5[%swap3A_332, %swap3A_333], %broadcast_in_dim3A_3 {strides = array<i32>} : memref<200x128xf32, #tpu.memory_space<vmem>>, vector<16xf32>,
      %swap3A_335 = arith.index_cast %scan3A_319 : i32 to index
      %swap3A_336 = arith.constant 80 : index
      %swap3A_337 = tpu.vector_load %arg5[%swap3A_335, %swap3A_336] {strides = array<i32>} : memref<200x128xf32, #tpu.memory_space<vmem>>, vector<16xf32>,
      tpu.vector_store %arg5[%swap3A_335, %swap3A_336], %broadcast_in_dim3A_3 {strides = array<i32>} : memref<200x128xf32, #tpu.memory_space<vmem>>, vector<16xf32>,
      %swap3A_338 = arith.index_cast %scan3A_319 : i32 to index
      %swap3A_339 = arith.constant 96 : index
      %swap3A_340 = tpu.vector_load %arg5[%swap3A_338, %swap3A_339] {strides = array<i32>} : memref<200x128xf32, #tpu.memory_space<vmem>>, vector<16xf32>,
      tpu.vector_store %arg5[%swap3A_338, %swap3A_339], %broadcast_in_dim3A_3 {strides = array<i32>} : memref<200x128xf32, #tpu.memory_space<vmem>>, vector<16xf32>,
      %swap3A_341 = arith.index_cast %scan3A_319 : i32 to index
      %swap3A_342 = arith.constant 112 : index
      %swap3A_343 = tpu.vector_load %arg5[%swap3A_341, %swap3A_342] {strides = array<i32>} : memref<200x128xf32, #tpu.memory_space<vmem>>, vector<16xf32>,
      tpu.vector_store %arg5[%swap3A_341, %swap3A_342], %broadcast_in_dim3A_3 {strides = array<i32>} : memref<200x128xf32, #tpu.memory_space<vmem>>, vector<16xf32>,
      %scan3A_344 = arith.constant 0 : i32
      scf.yield %scan3A_344 : i32
    }
    %scan3A_11 = arith.constant 200 : i32
    %get3A = arith.constant 0 : i32
    %get3A_12 = arith.index_cast %get3A : i32 to index
    %get3A_13 = arith.constant 0 : index
    %get3A_14 = tpu.vector_load %arg4[%get3A_12, %get3A_13] {strides = array<i32>} : memref<26x128xi32, #tpu.memory_space<vmem>>, vector<16xi32>,
    %sub3A = arith.constant 0 : i32
    %sub3A_15 = vector.broadcast %sub3A : i32 to vector<16xi32>
    %sub3A_16 = arith.subi %get3A_14, %sub3A_15 : vector<16xi32>
    %ge3A = arith.constant 0 : i32
    %ge3A_17 = vector.broadcast %ge3A : i32 to vector<16xi32>
    %ge3A_18 = arith.cmpi sge, %sub3A_16, %ge3A_17 : vector<16xi32>
    %lt3A = arith.constant 200 : i32
    %lt3A_19 = vector.broadcast %lt3A : i32 to vector<16xi32>
    %lt3A_20 = arith.cmpi slt, %sub3A_16, %lt3A_19 : vector<16xi32>
    %and3A = arith.andi %ge3A_18, %lt3A_20 : vector<16xi1>
    %add3A_21 = arith.constant 0 : i32
    %add3A_22 = vector.broadcast %add3A_21 : i32 to vector<16xi32>
    %add3A_23 = arith.addi %add3A_22, %iota3A : vector<16xi32>
    tpu.vector_store_idx %arg5[%sub3A_16, %add3A_23], %broadcast_in_dim3A_5 masked %and3A : memref<200x128xf32, #tpu.memory_space<vmem>>[vector<16xi32>, vector<16xi32>], vector<16xf32>, vector<16xi1>
    %get3A_24 = arith.constant 0 : i32
    %get3A_25 = arith.index_cast %get3A_24 : i32 to index
    %get3A_26 = arith.constant 16 : index
    %get3A_27 = tpu.vector_load %arg4[%get3A_25, %get3A_26] {strides = array<i32>} : memref<26x128xi32, #tpu.memory_space<vmem>>, vector<16xi32>,
    %sub3A_28 = arith.constant 0 : i32
    %sub3A_29 = vector.broadcast %sub3A_28 : i32 to vector<16xi32>
    %sub3A_30 = arith.subi %get3A_27, %sub3A_29 : vector<16xi32>
    %ge3A_31 = arith.constant 0 : i32
    %ge3A_32 = vector.broadcast %ge3A_31 : i32 to vector<16xi32>
    %ge3A_33 = arith.cmpi sge, %sub3A_30, %ge3A_32 : vector<16xi32>
    %lt3A_34 = arith.constant 200 : i32
    %lt3A_35 = vector.broadcast %lt3A_34 : i32 to vector<16xi32>
    %lt3A_36 = arith.cmpi slt, %sub3A_30, %lt3A_35 : vector<16xi32>
    %and3A_37 = arith.andi %ge3A_33, %lt3A_36 : vector<16xi1>
    %add3A_38 = arith.constant 16 : i32
    %add3A_39 = vector.broadcast %add3A_38 : i32 to vector<16xi32>
    %add3A_40 = arith.addi %add3A_39, %iota3A : vector<16xi32>
    tpu.vector_store_idx %arg5[%sub3A_30, %add3A_40], %broadcast_in_dim3A_5 masked %and3A_37 : memref<200x128xf32, #tpu.memory_space<vmem>>[vector<16xi32>, vector<16xi32>], vector<16xf32>, vector<16xi1>
    %get3A_41 = arith.constant 0 : i32
    %get3A_42 = arith.index_cast %get3A_41 : i32 to index
    %get3A_43 = arith.constant 32 : index
    %get3A_44 = tpu.vector_load %arg4[%get3A_42, %get3A_43] {strides = array<i32>} : memref<26x128xi32, #tpu.memory_space<vmem>>, vector<16xi32>,
    %sub3A_45 = arith.constant 0 : i32
    %sub3A_46 = vector.broadcast %sub3A_45 : i32 to vector<16xi32>
    %sub3A_47 = arith.subi %get3A_44, %sub3A_46 : vector<16xi32>
    %ge3A_48 = arith.constant 0 : i32
    %ge3A_49 = vector.broadcast %ge3A_48 : i32 to vector<16xi32>
    %ge3A_50 = arith.cmpi sge, %sub3A_47, %ge3A_49 : vector<16xi32>
    %lt3A_51 = arith.constant 200 : i32
    %lt3A_52 = vector.broadcast %lt3A_51 : i32 to vector<16xi32>
    %lt3A_53 = arith.cmpi slt, %sub3A_47, %lt3A_52 : vector<16xi32>
    %and3A_54 = arith.andi %ge3A_50, %lt3A_53 : vector<16xi1>
    %add3A_55 = arith.constant 32 : i32
    %add3A_56 = vector.broadcast %add3A_55 : i32 to vector<16xi32>
    %add3A_57 = arith.addi %add3A_56, %iota3A : vector<16xi32>
    tpu.vector_store_idx %arg5[%sub3A_47, %add3A_57], %broadcast_in_dim3A_5 masked %and3A_54 : memref<200x128xf32, #tpu.memory_space<vmem>>[vector<16xi32>, vector<16xi32>], vector<16xf32>, vector<16xi1>
    %get3A_58 = arith.constant 0 : i32
    %get3A_59 = arith.index_cast %get3A_58 : i32 to index
    %get3A_60 = arith.constant 48 : index
    %get3A_61 = tpu.vector_load %arg4[%get3A_59, %get3A_60] {strides = array<i32>} : memref<26x128xi32, #tpu.memory_space<vmem>>, vector<16xi32>,
    %sub3A_62 = arith.constant 0 : i32
    %sub3A_63 = vector.broadcast %sub3A_62 : i32 to vector<16xi32>
    %sub3A_64 = arith.subi %get3A_61, %sub3A_63 : vector<16xi32>
    %ge3A_65 = arith.constant 0 : i32
    %ge3A_66 = vector.broadcast %ge3A_65 : i32 to vector<16xi32>
    %ge3A_67 = arith.cmpi sge, %sub3A_64, %ge3A_66 : vector<16xi32>
    %lt3A_68 = arith.constant 200 : i32
    %lt3A_69 = vector.broadcast %lt3A_68 : i32 to vector<16xi32>
    %lt3A_70 = arith.cmpi slt, %sub3A_64, %lt3A_69 : vector<16xi32>
    %and3A_71 = arith.andi %ge3A_67, %lt3A_70 : vector<16xi1>
    %add3A_72 = arith.constant 48 : i32
    %add3A_73 = vector.broadcast %add3A_72 : i32 to vector<16xi32>
    %add3A_74 = arith.addi %add3A_73, %iota3A : vector<16xi32>
    tpu.vector_store_idx %arg5[%sub3A_64, %add3A_74], %broadcast_in_dim3A_5 masked %and3A_71 : memref<200x128xf32, #tpu.memory_space<vmem>>[vector<16xi32>, vector<16xi32>], vector<16xf32>, vector<16xi1>
    %get3A_75 = arith.constant 0 : i32
    %get3A_76 = arith.index_cast %get3A_75 : i32 to index
    %get3A_77 = arith.constant 64 : index
    %get3A_78 = tpu.vector_load %arg4[%get3A_76, %get3A_77] {strides = array<i32>} : memref<26x128xi32, #tpu.memory_space<vmem>>, vector<16xi32>,
    %sub3A_79 = arith.constant 0 : i32
    %sub3A_80 = vector.broadcast %sub3A_79 : i32 to vector<16xi32>
    %sub3A_81 = arith.subi %get3A_78, %sub3A_80 : vector<16xi32>
    %ge3A_82 = arith.constant 0 : i32
    %ge3A_83 = vector.broadcast %ge3A_82 : i32 to vector<16xi32>
    %ge3A_84 = arith.cmpi sge, %sub3A_81, %ge3A_83 : vector<16xi32>
    %lt3A_85 = arith.constant 200 : i32
    %lt3A_86 = vector.broadcast %lt3A_85 : i32 to vector<16xi32>
    %lt3A_87 = arith.cmpi slt, %sub3A_81, %lt3A_86 : vector<16xi32>
    %and3A_88 = arith.andi %ge3A_84, %lt3A_87 : vector<16xi1>
    %add3A_89 = arith.constant 64 : i32
    %add3A_90 = vector.broadcast %add3A_89 : i32 to vector<16xi32>
    %add3A_91 = arith.addi %add3A_90, %iota3A : vector<16xi32>
    tpu.vector_store_idx %arg5[%sub3A_81, %add3A_91], %broadcast_in_dim3A_5 masked %and3A_88 : memref<200x128xf32, #tpu.memory_space<vmem>>[vector<16xi32>, vector<16xi32>], vector<16xf32>, vector<16xi1>
    %get3A_92 = arith.constant 0 : i32
    %get3A_93 = arith.index_cast %get3A_92 : i32 to index
    %get3A_94 = arith.constant 80 : index
    %get3A_95 = tpu.vector_load %arg4[%get3A_93, %get3A_94] {strides = array<i32>} : memref<26x128xi32, #tpu.memory_space<vmem>>, vector<16xi32>,
    %sub3A_96 = arith.constant 0 : i32
    %sub3A_97 = vector.broadcast %sub3A_96 : i32 to vector<16xi32>
    %sub3A_98 = arith.subi %get3A_95, %sub3A_97 : vector<16xi32>
    %ge3A_99 = arith.constant 0 : i32
    %ge3A_100 = vector.broadcast %ge3A_99 : i32 to vector<16xi32>
    %ge3A_101 = arith.cmpi sge, %sub3A_98, %ge3A_100 : vector<16xi32>
    %lt3A_102 = arith.constant 200 : i32
    %lt3A_103 = vector.broadcast %lt3A_102 : i32 to vector<16xi32>
    %lt3A_104 = arith.cmpi slt, %sub3A_98, %lt3A_103 : vector<16xi32>
    %and3A_105 = arith.andi %ge3A_101, %lt3A_104 : vector<16xi1>
    %add3A_106 = arith.constant 80 : i32
    %add3A_107 = vector.broadcast %add3A_106 : i32 to vector<16xi32>
    %add3A_108 = arith.addi %add3A_107, %iota3A : vector<16xi32>
    tpu.vector_store_idx %arg5[%sub3A_98, %add3A_108], %broadcast_in_dim3A_5 masked %and3A_105 : memref<200x128xf32, #tpu.memory_space<vmem>>[vector<16xi32>, vector<16xi32>], vector<16xf32>, vector<16xi1>
    %get3A_109 = arith.constant 0 : i32
    %get3A_110 = arith.index_cast %get3A_109 : i32 to index
    %get3A_111 = arith.constant 96 : index
    %get3A_112 = tpu.vector_load %arg4[%get3A_110, %get3A_111] {strides = array<i32>} : memref<26x128xi32, #tpu.memory_space<vmem>>, vector<16xi32>,
    %sub3A_113 = arith.constant 0 : i32
    %sub3A_114 = vector.broadcast %sub3A_113 : i32 to vector<16xi32>
    %sub3A_115 = arith.subi %get3A_112, %sub3A_114 : vector<16xi32>
    %ge3A_116 = arith.constant 0 : i32
    %ge3A_117 = vector.broadcast %ge3A_116 : i32 to vector<16xi32>
    %ge3A_118 = arith.cmpi sge, %sub3A_115, %ge3A_117 : vector<16xi32>
    %lt3A_119 = arith.constant 200 : i32
    %lt3A_120 = vector.broadcast %lt3A_119 : i32 to vector<16xi32>
    %lt3A_121 = arith.cmpi slt, %sub3A_115, %lt3A_120 : vector<16xi32>
    %and3A_122 = arith.andi %ge3A_118, %lt3A_121 : vector<16xi1>
    %add3A_123 = arith.constant 96 : i32
    %add3A_124 = vector.broadcast %add3A_123 : i32 to vector<16xi32>
    %add3A_125 = arith.addi %add3A_124, %iota3A : vector<16xi32>
    tpu.vector_store_idx %arg5[%sub3A_115, %add3A_125], %broadcast_in_dim3A_5 masked %and3A_122 : memref<200x128xf32, #tpu.memory_space<vmem>>[vector<16xi32>, vector<16xi32>], vector<16xf32>, vector<16xi1>
    %get3A_126 = arith.constant 0 : i32
    %get3A_127 = arith.index_cast %get3A_126 : i32 to index
    %get3A_128 = arith.constant 112 : index
    %get3A_129 = tpu.vector_load %arg4[%get3A_127, %get3A_128] {strides = array<i32>} : memref<26x128xi32, #tpu.memory_space<vmem>>, vector<16xi32>,
    %sub3A_130 = arith.constant 0 : i32
    %sub3A_131 = vector.broadcast %sub3A_130 : i32 to vector<16xi32>
    %sub3A_132 = arith.subi %get3A_129, %sub3A_131 : vector<16xi32>
    %ge3A_133 = arith.constant 0 : i32
    %ge3A_134 = vector.broadcast %ge3A_133 : i32 to vector<16xi32>
    %ge3A_135 = arith.cmpi sge, %sub3A_132, %ge3A_134 : vector<16xi32>
    %lt3A_136 = arith.constant 200 : i32
    %lt3A_137 = vector.broadcast %lt3A_136 : i32 to vector<16xi32>
    %lt3A_138 = arith.cmpi slt, %sub3A_132, %lt3A_137 : vector<16xi32>
    %and3A_139 = arith.andi %ge3A_135, %lt3A_138 : vector<16xi1>
    %add3A_140 = arith.constant 112 : i32
    %add3A_141 = vector.broadcast %add3A_140 : i32 to vector<16xi32>
    %add3A_142 = arith.addi %add3A_141, %iota3A : vector<16xi32>
    tpu.vector_store_idx %arg5[%sub3A_132, %add3A_142], %broadcast_in_dim3A_5 masked %and3A_139 : memref<200x128xf32, #tpu.memory_space<vmem>>[vector<16xi32>, vector<16xi32>], vector<16xf32>, vector<16xi1>
    %dma_start3A = arith.constant 0 : i32
    %dma_start3A_143 = arith.constant 0 : i32
    %dma_start3A_144 = tpu.memref_slice %arg3[%dma_start3A, %dma_start3A_143, %mul3A_2] : memref<26x1000x4096xf32, #tpu.memory_space<hbm>> -> memref<1x200x128xf32, #tpu.memory_space<hbm>>
    %dma_start3A_145 = tpu.memref_squeeze %dma_start3A_144 : memref<1x200x128xf32, #tpu.memory_space<hbm>> -> memref<200x128xf32, #tpu.memory_space<hbm>>
    %dma_start3A_146 = arith.constant 0 : i32
    %dma_start3A_147 = tpu.memref_slice %arg3[%dma_start3A, %dma_start3A_146, %mul3A_2] : memref<26x1000x4096xf32, #tpu.memory_space<hbm>> -> memref<1x200x128xf32, #tpu.memory_space<hbm>>
    %dma_start3A_148 = tpu.memref_squeeze %dma_start3A_147 : memref<1x200x128xf32, #tpu.memory_space<hbm>> -> memref<200x128xf32, #tpu.memory_space<hbm>>
    tpu.enqueue_dma source(%arg5 : memref<200x128xf32, #tpu.memory_space<vmem>>) target(%dma_start3A_148 : memref<200x128xf32, #tpu.memory_space<hbm>>) target_semaphore(%arg7 : memref<!tpu.dma_semaphore, #tpu.memory_space<semaphore_mem>>)
    %scan3A_149 = arith.constant 0 : i32
    %scan3A_150 = arith.constant 0 : i32
    %scan3A_151 = arith.constant 200 : i32
    %scan3A_152 = arith.addi %scan3A_150, %scan3A_151 : i32
    %scan3A_153 = arith.constant 1 : i32
    %scan3A_154 = scf.for %scan3A_319 = %scan3A_150 to %scan3A_152 step %scan3A_153 iter_args(%scan3A_320 = %scan3A_149) -> (i32)  : i32 {
      %swap3A = arith.index_cast %scan3A_319 : i32 to index
      %swap3A_321 = arith.constant 0 : index
      %swap3A_322 = tpu.vector_load %arg6[%swap3A, %swap3A_321] {strides = array<i32>} : memref<200x128xf32, #tpu.memory_space<vmem>>, vector<16xf32>,
      tpu.vector_store %arg6[%swap3A, %swap3A_321], %broadcast_in_dim3A_3 {strides = array<i32>} : memref<200x128xf32, #tpu.memory_space<vmem>>, vector<16xf32>,
      %swap3A_323 = arith.index_cast %scan3A_319 : i32 to index
      %swap3A_324 = arith.constant 16 : index
      %swap3A_325 = tpu.vector_load %arg6[%swap3A_323, %swap3A_324] {strides = array<i32>} : memref<200x128xf32, #tpu.memory_space<vmem>>, vector<16xf32>,
      tpu.vector_store %arg6[%swap3A_323, %swap3A_324], %broadcast_in_dim3A_3 {strides = array<i32>} : memref<200x128xf32, #tpu.memory_space<vmem>>, vector<16xf32>,
      %swap3A_326 = arith.index_cast %scan3A_319 : i32 to index
      %swap3A_327 = arith.constant 32 : index
      %swap3A_328 = tpu.vector_load %arg6[%swap3A_326, %swap3A_327] {strides = array<i32>} : memref<200x128xf32, #tpu.memory_space<vmem>>, vector<16xf32>,
      tpu.vector_store %arg6[%swap3A_326, %swap3A_327], %broadcast_in_dim3A_3 {strides = array<i32>} : memref<200x128xf32, #tpu.memory_space<vmem>>, vector<16xf32>,
      %swap3A_329 = arith.index_cast %scan3A_319 : i32 to index
      %swap3A_330 = arith.constant 48 : index
      %swap3A_331 = tpu.vector_load %arg6[%swap3A_329, %swap3A_330] {strides = array<i32>} : memref<200x128xf32, #tpu.memory_space<vmem>>, vector<16xf32>,
      tpu.vector_store %arg6[%swap3A_329, %swap3A_330], %broadcast_in_dim3A_3 {strides = array<i32>} : memref<200x128xf32, #tpu.memory_space<vmem>>, vector<16xf32>,
      %swap3A_332 = arith.index_cast %scan3A_319 : i32 to index
      %swap3A_333 = arith.constant 64 : index
      %swap3A_334 = tpu.vector_load %arg6[%swap3A_332, %swap3A_333] {strides = array<i32>} : memref<200x128xf32, #tpu.memory_space<vmem>>, vector<16xf32>,
      tpu.vector_store %arg6[%swap3A_332, %swap3A_333], %broadcast_in_dim3A_3 {strides = array<i32>} : memref<200x128xf32, #tpu.memory_space<vmem>>, vector<16xf32>,
      %swap3A_335 = arith.index_cast %scan3A_319 : i32 to index
      %swap3A_336 = arith.constant 80 : index
      %swap3A_337 = tpu.vector_load %arg6[%swap3A_335, %swap3A_336] {strides = array<i32>} : memref<200x128xf32, #tpu.memory_space<vmem>>, vector<16xf32>,
      tpu.vector_store %arg6[%swap3A_335, %swap3A_336], %broadcast_in_dim3A_3 {strides = array<i32>} : memref<200x128xf32, #tpu.memory_space<vmem>>, vector<16xf32>,
      %swap3A_338 = arith.index_cast %scan3A_319 : i32 to index
      %swap3A_339 = arith.constant 96 : index
      %swap3A_340 = tpu.vector_load %arg6[%swap3A_338, %swap3A_339] {strides = array<i32>} : memref<200x128xf32, #tpu.memory_space<vmem>>, vector<16xf32>,
      tpu.vector_store %arg6[%swap3A_338, %swap3A_339], %broadcast_in_dim3A_3 {strides = array<i32>} : memref<200x128xf32, #tpu.memory_space<vmem>>, vector<16xf32>,
      %swap3A_341 = arith.index_cast %scan3A_319 : i32 to index
      %swap3A_342 = arith.constant 112 : index
      %swap3A_343 = tpu.vector_load %arg6[%swap3A_341, %swap3A_342] {strides = array<i32>} : memref<200x128xf32, #tpu.memory_space<vmem>>, vector<16xf32>,
      tpu.vector_store %arg6[%swap3A_341, %swap3A_342], %broadcast_in_dim3A_3 {strides = array<i32>} : memref<200x128xf32, #tpu.memory_space<vmem>>, vector<16xf32>,
      %scan3A_344 = arith.constant 0 : i32
      scf.yield %scan3A_344 : i32
    }
    %scan3A_155 = arith.constant 200 : i32
    %get3A_156 = arith.constant 0 : i32
    %get3A_157 = arith.index_cast %get3A_156 : i32 to index
    %get3A_158 = arith.constant 0 : index
    %get3A_159 = tpu.vector_load %arg4[%get3A_157, %get3A_158] {strides = array<i32>} : memref<26x128xi32, #tpu.memory_space<vmem>>, vector<16xi32>,
    %sub3A_160 = arith.constant 200 : i32
    %sub3A_161 = vector.broadcast %sub3A_160 : i32 to vector<16xi32>
    %sub3A_162 = arith.subi %get3A_159, %sub3A_161 : vector<16xi32>
    %ge3A_163 = arith.constant 0 : i32
    %ge3A_164 = vector.broadcast %ge3A_163 : i32 to vector<16xi32>
    %ge3A_165 = arith.cmpi sge, %sub3A_162, %ge3A_164 : vector<16xi32>
    %lt3A_166 = arith.constant 200 : i32
    %lt3A_167 = vector.broadcast %lt3A_166 : i32 to vector<16xi32>
    %lt3A_168 = arith.cmpi slt, %sub3A_162, %lt3A_167 : vector<16xi32>
    %and3A_169 = arith.andi %ge3A_165, %lt3A_168 : vector<16xi1>
    %add3A_170 = arith.constant 0 : i32
    %add3A_171 = vector.broadcast %add3A_170 : i32 to vector<16xi32>
    %add3A_172 = arith.addi %add3A_171, %iota3A : vector<16xi32>
    tpu.vector_store_idx %arg6[%sub3A_162, %add3A_172], %broadcast_in_dim3A_5 masked %and3A_169 : memref<200x128xf32, #tpu.memory_space<vmem>>[vector<16xi32>, vector<16xi32>], vector<16xf32>, vector<16xi1>
    %get3A_173 = arith.constant 0 : i32
    %get3A_174 = arith.index_cast %get3A_173 : i32 to index
    %get3A_175 = arith.constant 16 : index
    %get3A_176 = tpu.vector_load %arg4[%get3A_174, %get3A_175] {strides = array<i32>} : memref<26x128xi32, #tpu.memory_space<vmem>>, vector<16xi32>,
    %sub3A_177 = arith.constant 200 : i32
    %sub3A_178 = vector.broadcast %sub3A_177 : i32 to vector<16xi32>
    %sub3A_179 = arith.subi %get3A_176, %sub3A_178 : vector<16xi32>
    %ge3A_180 = arith.constant 0 : i32
    %ge3A_181 = vector.broadcast %ge3A_180 : i32 to vector<16xi32>
    %ge3A_182 = arith.cmpi sge, %sub3A_179, %ge3A_181 : vector<16xi32>
    %lt3A_183 = arith.constant 200 : i32
    %lt3A_184 = vector.broadcast %lt3A_183 : i32 to vector<16xi32>
    %lt3A_185 = arith.cmpi slt, %sub3A_179, %lt3A_184 : vector<16xi32>
    %and3A_186 = arith.andi %ge3A_182, %lt3A_185 : vector<16xi1>
    %add3A_187 = arith.constant 16 : i32
    %add3A_188 = vector.broadcast %add3A_187 : i32 to vector<16xi32>
    %add3A_189 = arith.addi %add3A_188, %iota3A : vector<16xi32>
    tpu.vector_store_idx %arg6[%sub3A_179, %add3A_189], %broadcast_in_dim3A_5 masked %and3A_186 : memref<200x128xf32, #tpu.memory_space<vmem>>[vector<16xi32>, vector<16xi32>], vector<16xf32>, vector<16xi1>
    %get3A_190 = arith.constant 0 : i32
    %get3A_191 = arith.index_cast %get3A_190 : i32 to index
    %get3A_192 = arith.constant 32 : index
    %get3A_193 = tpu.vector_load %arg4[%get3A_191, %get3A_192] {strides = array<i32>} : memref<26x128xi32, #tpu.memory_space<vmem>>, vector<16xi32>,
    %sub3A_194 = arith.constant 200 : i32
    %sub3A_195 = vector.broadcast %sub3A_194 : i32 to vector<16xi32>
    %sub3A_196 = arith.subi %get3A_193, %sub3A_195 : vector<16xi32>
    %ge3A_197 = arith.constant 0 : i32
    %ge3A_198 = vector.broadcast %ge3A_197 : i32 to vector<16xi32>
    %ge3A_199 = arith.cmpi sge, %sub3A_196, %ge3A_198 : vector<16xi32>
    %lt3A_200 = arith.constant 200 : i32
    %lt3A_201 = vector.broadcast %lt3A_200 : i32 to vector<16xi32>
    %lt3A_202 = arith.cmpi slt, %sub3A_196, %lt3A_201 : vector<16xi32>
    %and3A_203 = arith.andi %ge3A_199, %lt3A_202 : vector<16xi1>
    %add3A_204 = arith.constant 32 : i32
    %add3A_205 = vector.broadcast %add3A_204 : i32 to vector<16xi32>
    %add3A_206 = arith.addi %add3A_205, %iota3A : vector<16xi32>
    tpu.vector_store_idx %arg6[%sub3A_196, %add3A_206], %broadcast_in_dim3A_5 masked %and3A_203 : memref<200x128xf32, #tpu.memory_space<vmem>>[vector<16xi32>, vector<16xi32>], vector<16xf32>, vector<16xi1>
    %get3A_207 = arith.constant 0 : i32
    %get3A_208 = arith.index_cast %get3A_207 : i32 to index
    %get3A_209 = arith.constant 48 : index
    %get3A_210 = tpu.vector_load %arg4[%get3A_208, %get3A_209] {strides = array<i32>} : memref<26x128xi32, #tpu.memory_space<vmem>>, vector<16xi32>,
    %sub3A_211 = arith.constant 200 : i32
    %sub3A_212 = vector.broadcast %sub3A_211 : i32 to vector<16xi32>
    %sub3A_213 = arith.subi %get3A_210, %sub3A_212 : vector<16xi32>
    %ge3A_214 = arith.constant 0 : i32
    %ge3A_215 = vector.broadcast %ge3A_214 : i32 to vector<16xi32>
    %ge3A_216 = arith.cmpi sge, %sub3A_213, %ge3A_215 : vector<16xi32>
    %lt3A_217 = arith.constant 200 : i32
    %lt3A_218 = vector.broadcast %lt3A_217 : i32 to vector<16xi32>
    %lt3A_219 = arith.cmpi slt, %sub3A_213, %lt3A_218 : vector<16xi32>
    %and3A_220 = arith.andi %ge3A_216, %lt3A_219 : vector<16xi1>
    %add3A_221 = arith.constant 48 : i32
    %add3A_222 = vector.broadcast %add3A_221 : i32 to vector<16xi32>
    %add3A_223 = arith.addi %add3A_222, %iota3A : vector<16xi32>
    tpu.vector_store_idx %arg6[%sub3A_213, %add3A_223], %broadcast_in_dim3A_5 masked %and3A_220 : memref<200x128xf32, #tpu.memory_space<vmem>>[vector<16xi32>, vector<16xi32>], vector<16xf32>, vector<16xi1>
    %get3A_224 = arith.constant 0 : i32
    %get3A_225 = arith.index_cast %get3A_224 : i32 to index
    %get3A_226 = arith.constant 64 : index
    %get3A_227 = tpu.vector_load %arg4[%get3A_225, %get3A_226] {strides = array<i32>} : memref<26x128xi32, #tpu.memory_space<vmem>>, vector<16xi32>,
    %sub3A_228 = arith.constant 200 : i32
    %sub3A_229 = vector.broadcast %sub3A_228 : i32 to vector<16xi32>
    %sub3A_230 = arith.subi %get3A_227, %sub3A_229 : vector<16xi32>
    %ge3A_231 = arith.constant 0 : i32
    %ge3A_232 = vector.broadcast %ge3A_231 : i32 to vector<16xi32>
    %ge3A_233 = arith.cmpi sge, %sub3A_230, %ge3A_232 : vector<16xi32>
    %lt3A_234 = arith.constant 200 : i32
    %lt3A_235 = vector.broadcast %lt3A_234 : i32 to vector<16xi32>
    %lt3A_236 = arith.cmpi slt, %sub3A_230, %lt3A_235 : vector<16xi32>
    %and3A_237 = arith.andi %ge3A_233, %lt3A_236 : vector<16xi1>
    %add3A_238 = arith.constant 64 : i32
    %add3A_239 = vector.broadcast %add3A_238 : i32 to vector<16xi32>
    %add3A_240 = arith.addi %add3A_239, %iota3A : vector<16xi32>
    tpu.vector_store_idx %arg6[%sub3A_230, %add3A_240], %broadcast_in_dim3A_5 masked %and3A_237 : memref<200x128xf32, #tpu.memory_space<vmem>>[vector<16xi32>, vector<16xi32>], vector<16xf32>, vector<16xi1>
    %get3A_241 = arith.constant 0 : i32
    %get3A_242 = arith.index_cast %get3A_241 : i32 to index
    %get3A_243 = arith.constant 80 : index
    %get3A_244 = tpu.vector_load %arg4[%get3A_242, %get3A_243] {strides = array<i32>} : memref<26x128xi32, #tpu.memory_space<vmem>>, vector<16xi32>,
    %sub3A_245 = arith.constant 200 : i32
    %sub3A_246 = vector.broadcast %sub3A_245 : i32 to vector<16xi32>
    %sub3A_247 = arith.subi %get3A_244, %sub3A_246 : vector<16xi32>
    %ge3A_248 = arith.constant 0 : i32
    %ge3A_249 = vector.broadcast %ge3A_248 : i32 to vector<16xi32>
    %ge3A_250 = arith.cmpi sge, %sub3A_247, %ge3A_249 : vector<16xi32>
    %lt3A_251 = arith.constant 200 : i32
    %lt3A_252 = vector.broadcast %lt3A_251 : i32 to vector<16xi32>
    %lt3A_253 = arith.cmpi slt, %sub3A_247, %lt3A_252 : vector<16xi32>
    %and3A_254 = arith.andi %ge3A_250, %lt3A_253 : vector<16xi1>
    %add3A_255 = arith.constant 80 : i32
    %add3A_256 = vector.broadcast %add3A_255 : i32 to vector<16xi32>
    %add3A_257 = arith.addi %add3A_256, %iota3A : vector<16xi32>
    tpu.vector_store_idx %arg6[%sub3A_247, %add3A_257], %broadcast_in_dim3A_5 masked %and3A_254 : memref<200x128xf32, #tpu.memory_space<vmem>>[vector<16xi32>, vector<16xi32>], vector<16xf32>, vector<16xi1>
    %get3A_258 = arith.constant 0 : i32
    %get3A_259 = arith.index_cast %get3A_258 : i32 to index
    %get3A_260 = arith.constant 96 : index
    %get3A_261 = tpu.vector_load %arg4[%get3A_259, %get3A_260] {strides = array<i32>} : memref<26x128xi32, #tpu.memory_space<vmem>>, vector<16xi32>,
    %sub3A_262 = arith.constant 200 : i32
    %sub3A_263 = vector.broadcast %sub3A_262 : i32 to vector<16xi32>
    %sub3A_264 = arith.subi %get3A_261, %sub3A_263 : vector<16xi32>
    %ge3A_265 = arith.constant 0 : i32
    %ge3A_266 = vector.broadcast %ge3A_265 : i32 to vector<16xi32>
    %ge3A_267 = arith.cmpi sge, %sub3A_264, %ge3A_266 : vector<16xi32>
    %lt3A_268 = arith.constant 200 : i32
    %lt3A_269 = vector.broadcast %lt3A_268 : i32 to vector<16xi32>
    %lt3A_270 = arith.cmpi slt, %sub3A_264, %lt3A_269 : vector<16xi32>
    %and3A_271 = arith.andi %ge3A_267, %lt3A_270 : vector<16xi1>
    %add3A_272 = arith.constant 96 : i32
    %add3A_273 = vector.broadcast %add3A_272 : i32 to vector<16xi32>
    %add3A_274 = arith.addi %add3A_273, %iota3A : vector<16xi32>
    tpu.vector_store_idx %arg6[%sub3A_264, %add3A_274], %broadcast_in_dim3A_5 masked %and3A_271 : memref<200x128xf32, #tpu.memory_space<vmem>>[vector<16xi32>, vector<16xi32>], vector<16xf32>, vector<16xi1>
    %get3A_275 = arith.constant 0 : i32
    %get3A_276 = arith.index_cast %get3A_275 : i32 to index
    %get3A_277 = arith.constant 112 : index
    %get3A_278 = tpu.vector_load %arg4[%get3A_276, %get3A_277] {strides = array<i32>} : memref<26x128xi32, #tpu.memory_space<vmem>>, vector<16xi32>,
    %sub3A_279 = arith.constant 200 : i32
    %sub3A_280 = vector.broadcast %sub3A_279 : i32 to vector<16xi32>
    %sub3A_281 = arith.subi %get3A_278, %sub3A_280 : vector<16xi32>
    %ge3A_282 = arith.constant 0 : i32
    %ge3A_283 = vector.broadcast %ge3A_282 : i32 to vector<16xi32>
    %ge3A_284 = arith.cmpi sge, %sub3A_281, %ge3A_283 : vector<16xi32>
    %lt3A_285 = arith.constant 200 : i32
    %lt3A_286 = vector.broadcast %lt3A_285 : i32 to vector<16xi32>
    %lt3A_287 = arith.cmpi slt, %sub3A_281, %lt3A_286 : vector<16xi32>
    %and3A_288 = arith.andi %ge3A_284, %lt3A_287 : vector<16xi1>
    %add3A_289 = arith.constant 112 : i32
    %add3A_290 = vector.broadcast %add3A_289 : i32 to vector<16xi32>
    %add3A_291 = arith.addi %add3A_290, %iota3A : vector<16xi32>
    tpu.vector_store_idx %arg6[%sub3A_281, %add3A_291], %broadcast_in_dim3A_5 masked %and3A_288 : memref<200x128xf32, #tpu.memory_space<vmem>>[vector<16xi32>, vector<16xi32>], vector<16xf32>, vector<16xi1>
    %dma_start3A_292 = arith.constant 0 : i32
    %dma_start3A_293 = arith.constant 200 : i32
    %dma_start3A_294 = tpu.memref_slice %arg3[%dma_start3A_292, %dma_start3A_293, %mul3A_2] : memref<26x1000x4096xf32, #tpu.memory_space<hbm>> -> memref<1x200x128xf32, #tpu.memory_space<hbm>>
    %dma_start3A_295 = tpu.memref_squeeze %dma_start3A_294 : memref<1x200x128xf32, #tpu.memory_space<hbm>> -> memref<200x128xf32, #tpu.memory_space<hbm>>
    %dma_start3A_296 = arith.constant 200 : i32
    %dma_start3A_297 = tpu.memref_slice %arg3[%dma_start3A_292, %dma_start3A_296, %mul3A_2] : memref<26x1000x4096xf32, #tpu.memory_space<hbm>> -> memref<1x200x128xf32, #tpu.memory_space<hbm>>
    %dma_start3A_298 = tpu.memref_squeeze %dma_start3A_297 : memref<1x200x128xf32, #tpu.memory_space<hbm>> -> memref<200x128xf32, #tpu.memory_space<hbm>>
    tpu.enqueue_dma source(%arg6 : memref<200x128xf32, #tpu.memory_space<vmem>>) target(%dma_start3A_298 : memref<200x128xf32, #tpu.memory_space<hbm>>) target_semaphore(%arg8 : memref<!tpu.dma_semaphore, #tpu.memory_space<semaphore_mem>>)
    %scan3A_299 = arith.constant 0 : i32
    %scan3A_300 = arith.constant 1 : i32
    %scan3A_301 = arith.constant 64 : i32
    %scan3A_302 = arith.addi %scan3A_300, %scan3A_301 : i32
    %scan3A_303 = arith.constant 1 : i32
    %scan3A_304 = scf.for %scan3A_319 = %scan3A_300 to %scan3A_302 step %scan3A_303 iter_args(%scan3A_320 = %scan3A_299) -> (i32)  : i32 {
      %mul3A_321 = arith.constant 2 : i32
      %mul3A_322 = arith.muli %mul3A_321, %scan3A_319 : i32
      %sub3A_323 = arith.constant 2 : i32
      %sub3A_324 = arith.subi %mul3A_322, %sub3A_323 : i32
      %jit3A = arith.constant 5 : i32
      %div3A = arith.divsi %sub3A_324, %jit3A : i32
      %sign3A = arith.constant 0 : i32
      %sign3A_325 = arith.cmpi sgt, %sub3A_324, %sign3A : i32
      %sign3A_326 = arith.extui %sign3A_325 : i1 to i32
      %sign3A_327 = arith.constant 0 : i32
      %sign3A_328 = arith.cmpi slt, %sub3A_324, %sign3A_327 : i32
      %sign3A_329 = arith.extui %sign3A_328 : i1 to i32
      %sign3A_330 = arith.subi %sign3A_326, %sign3A_329 : i32
      %sign3A_331 = arith.constant 0 : i32
      %sign3A_332 = arith.cmpi sgt, %jit3A, %sign3A_331 : i32
      %sign3A_333 = arith.extui %sign3A_332 : i1 to i32
      %sign3A_334 = arith.constant 0 : i32
      %sign3A_335 = arith.cmpi slt, %jit3A, %sign3A_334 : i32
      %sign3A_336 = arith.extui %sign3A_335 : i1 to i32
      %sign3A_337 = arith.subi %sign3A_333, %sign3A_336 : i32
      %ne3A = arith.cmpi ne, %sign3A_330, %sign3A_337 : i32
      %rem3A = arith.remsi %sub3A_324, %jit3A : i32
      %ne3A_338 = arith.constant 0 : i32
      %ne3A_339 = arith.cmpi ne, %rem3A, %ne3A_338 : i32
      %and3A_340 = arith.andi %ne3A, %ne3A_339 : i1
      %sub3A_341 = arith.constant 1 : i32
      %sub3A_342 = arith.subi %div3A, %sub3A_341 : i32
      %select_n3A = arith.select %and3A_340, %sub3A_342, %div3A : i32
      %jit3A_343 = arith.constant 5 : i32
      %eq3A = arith.constant 0 : i32
      %eq3A_344 = arith.cmpi eq, %jit3A_343, %eq3A : i32
      %jit3A_345 = arith.constant 1 : i32
      %select_n3A_346 = arith.select %eq3A_344, %jit3A_345, %jit3A_343 : i32
      %rem3A_347 = arith.remsi %sub3A_324, %select_n3A_346 : i32
      %ne3A_348 = arith.constant 0 : i32
      %ne3A_349 = arith.cmpi ne, %rem3A_347, %ne3A_348 : i32
      %lt3A_350 = arith.constant 0 : i32
      %lt3A_351 = arith.cmpi slt, %rem3A_347, %lt3A_350 : i32
      %lt3A_352 = arith.constant 0 : i32
      %lt3A_353 = arith.cmpi slt, %select_n3A_346, %lt3A_352 : i32
      %ne3A_354 = arith.xori %lt3A_351, %lt3A_353 : i1
      %and3A_355 = arith.andi %ne3A_354, %ne3A_349 : i1
      %add3A_356 = arith.addi %rem3A_347, %select_n3A_346 : i32
      %select_n3A_357 = arith.select %and3A_355, %add3A_356, %rem3A_347 : i32
      %mul3A_358 = arith.constant 200 : i32
      %mul3A_359 = arith.muli %select_n3A_357, %mul3A_358 : i32
      %dma_wait3A_360 = tpu.memref_slice %arg3[%select_n3A, %mul3A_359, %mul3A_2] : memref<26x1000x4096xf32, #tpu.memory_space<hbm>> -> memref<1x200x128xf32, #tpu.memory_space<hbm>>
      %dma_wait3A_361 = tpu.memref_squeeze %dma_wait3A_360 : memref<1x200x128xf32, #tpu.memory_space<hbm>> -> memref<200x128xf32, #tpu.memory_space<hbm>>
      %dma_wait3A_362 = tpu.memref_slice %arg3[%select_n3A, %mul3A_359, %mul3A_2] : memref<26x1000x4096xf32, #tpu.memory_space<hbm>> -> memref<1x200x128xf32, #tpu.memory_space<hbm>>
      %dma_wait3A_363 = tpu.memref_squeeze %dma_wait3A_362 : memref<1x200x128xf32, #tpu.memory_space<hbm>> -> memref<200x128xf32, #tpu.memory_space<hbm>>
      tpu.wait_dma2 semaphore(%arg7 : memref<!tpu.dma_semaphore, #tpu.memory_space<semaphore_mem>>) src(%arg5 : memref<200x128xf32, #tpu.memory_space<vmem>>) dst(%dma_wait3A_363 : memref<200x128xf32, #tpu.memory_space<hbm>>)
      %sub3A_364 = arith.constant 2 : i32
      %sub3A_365 = arith.subi %mul3A_322, %sub3A_364 : i32
      %jit3A_366 = arith.constant 5 : i32
      %div3A_367 = arith.divsi %sub3A_365, %jit3A_366 : i32
      %sign3A_368 = arith.constant 0 : i32
      %sign3A_369 = arith.cmpi sgt, %sub3A_365, %sign3A_368 : i32
      %sign3A_370 = arith.extui %sign3A_369 : i1 to i32
      %sign3A_371 = arith.constant 0 : i32
      %sign3A_372 = arith.cmpi slt, %sub3A_365, %sign3A_371 : i32
      %sign3A_373 = arith.extui %sign3A_372 : i1 to i32
      %sign3A_374 = arith.subi %sign3A_370, %sign3A_373 : i32
      %sign3A_375 = arith.constant 0 : i32
      %sign3A_376 = arith.cmpi sgt, %jit3A_366, %sign3A_375 : i32
      %sign3A_377 = arith.extui %sign3A_376 : i1 to i32
      %sign3A_378 = arith.constant 0 : i32
      %sign3A_379 = arith.cmpi slt, %jit3A_366, %sign3A_378 : i32
      %sign3A_380 = arith.extui %sign3A_379 : i1 to i32
      %sign3A_381 = arith.subi %sign3A_377, %sign3A_380 : i32
      %ne3A_382 = arith.cmpi ne, %sign3A_374, %sign3A_381 : i32
      %rem3A_383 = arith.remsi %sub3A_365, %jit3A_366 : i32
      %ne3A_384 = arith.constant 0 : i32
      %ne3A_385 = arith.cmpi ne, %rem3A_383, %ne3A_384 : i32
      %and3A_386 = arith.andi %ne3A_382, %ne3A_385 : i1
      %sub3A_387 = arith.constant 1 : i32
      %sub3A_388 = arith.subi %div3A_367, %sub3A_387 : i32
      %select_n3A_389 = arith.select %and3A_386, %sub3A_388, %div3A_367 : i32
      %jit3A_390 = arith.constant 5 : i32
      %eq3A_391 = arith.constant 0 : i32
      %eq3A_392 = arith.cmpi eq, %jit3A_390, %eq3A_391 : i32
      %jit3A_393 = arith.constant 1 : i32
      %select_n3A_394 = arith.select %eq3A_392, %jit3A_393, %jit3A_390 : i32
      %rem3A_395 = arith.remsi %sub3A_365, %select_n3A_394 : i32
      %ne3A_396 = arith.constant 0 : i32
      %ne3A_397 = arith.cmpi ne, %rem3A_395, %ne3A_396 : i32
      %lt3A_398 = arith.constant 0 : i32
      %lt3A_399 = arith.cmpi slt, %rem3A_395, %lt3A_398 : i32
      %lt3A_400 = arith.constant 0 : i32
      %lt3A_401 = arith.cmpi slt, %select_n3A_394, %lt3A_400 : i32
      %ne3A_402 = arith.xori %lt3A_399, %lt3A_401 : i1
      %and3A_403 = arith.andi %ne3A_402, %ne3A_397 : i1
      %add3A_404 = arith.addi %rem3A_395, %select_n3A_394 : i32
      %select_n3A_405 = arith.select %and3A_403, %add3A_404, %rem3A_395 : i32
      %mul3A_406 = arith.constant 200 : i32
      %mul3A_407 = arith.muli %select_n3A_405, %mul3A_406 : i32
      %get3A_408 = arith.index_cast %select_n3A_389 : i32 to index
      %get3A_409 = arith.constant 0 : index
      %get3A_410 = tpu.vector_load %arg4[%get3A_408, %get3A_409] {strides = array<i32>} : memref<26x128xi32, #tpu.memory_space<vmem>>, vector<16xi32>,
      %sub3A_411 = vector.broadcast %mul3A_407 : i32 to vector<16xi32>
      %sub3A_412 = arith.subi %get3A_410, %sub3A_411 : vector<16xi32>
      %ge3A_413 = arith.constant 0 : i32
      %ge3A_414 = vector.broadcast %ge3A_413 : i32 to vector<16xi32>
      %ge3A_415 = arith.cmpi sge, %sub3A_412, %ge3A_414 : vector<16xi32>
      %lt3A_416 = arith.constant 200 : i32
      %lt3A_417 = vector.broadcast %lt3A_416 : i32 to vector<16xi32>
      %lt3A_418 = arith.cmpi slt, %sub3A_412, %lt3A_417 : vector<16xi32>
      %and3A_419 = arith.andi %ge3A_415, %lt3A_418 : vector<16xi1>
      %add3A_420 = arith.constant 0 : i32
      %add3A_421 = vector.broadcast %add3A_420 : i32 to vector<16xi32>
      %add3A_422 = arith.addi %add3A_421, %iota3A : vector<16xi32>
      tpu.vector_store_idx %arg5[%sub3A_412, %add3A_422], %broadcast_in_dim3A_3 masked %and3A_419 : memref<200x128xf32, #tpu.memory_space<vmem>>[vector<16xi32>, vector<16xi32>], vector<16xf32>, vector<16xi1>
      %get3A_423 = arith.index_cast %select_n3A_389 : i32 to index
      %get3A_424 = arith.constant 16 : index
      %get3A_425 = tpu.vector_load %arg4[%get3A_423, %get3A_424] {strides = array<i32>} : memref<26x128xi32, #tpu.memory_space<vmem>>, vector<16xi32>,
      %sub3A_426 = vector.broadcast %mul3A_407 : i32 to vector<16xi32>
      %sub3A_427 = arith.subi %get3A_425, %sub3A_426 : vector<16xi32>
      %ge3A_428 = arith.constant 0 : i32
      %ge3A_429 = vector.broadcast %ge3A_428 : i32 to vector<16xi32>
      %ge3A_430 = arith.cmpi sge, %sub3A_427, %ge3A_429 : vector<16xi32>
      %lt3A_431 = arith.constant 200 : i32
      %lt3A_432 = vector.broadcast %lt3A_431 : i32 to vector<16xi32>
      %lt3A_433 = arith.cmpi slt, %sub3A_427, %lt3A_432 : vector<16xi32>
      %and3A_434 = arith.andi %ge3A_430, %lt3A_433 : vector<16xi1>
      %add3A_435 = arith.constant 16 : i32
      %add3A_436 = vector.broadcast %add3A_435 : i32 to vector<16xi32>
      %add3A_437 = arith.addi %add3A_436, %iota3A : vector<16xi32>
      tpu.vector_store_idx %arg5[%sub3A_427, %add3A_437], %broadcast_in_dim3A_3 masked %and3A_434 : memref<200x128xf32, #tpu.memory_space<vmem>>[vector<16xi32>, vector<16xi32>], vector<16xf32>, vector<16xi1>
      %get3A_438 = arith.index_cast %select_n3A_389 : i32 to index
      %get3A_439 = arith.constant 32 : index
      %get3A_440 = tpu.vector_load %arg4[%get3A_438, %get3A_439] {strides = array<i32>} : memref<26x128xi32, #tpu.memory_space<vmem>>, vector<16xi32>,
      %sub3A_441 = vector.broadcast %mul3A_407 : i32 to vector<16xi32>
      %sub3A_442 = arith.subi %get3A_440, %sub3A_441 : vector<16xi32>
      %ge3A_443 = arith.constant 0 : i32
      %ge3A_444 = vector.broadcast %ge3A_443 : i32 to vector<16xi32>
      %ge3A_445 = arith.cmpi sge, %sub3A_442, %ge3A_444 : vector<16xi32>
      %lt3A_446 = arith.constant 200 : i32
      %lt3A_447 = vector.broadcast %lt3A_446 : i32 to vector<16xi32>
      %lt3A_448 = arith.cmpi slt, %sub3A_442, %lt3A_447 : vector<16xi32>
      %and3A_449 = arith.andi %ge3A_445, %lt3A_448 : vector<16xi1>
      %add3A_450 = arith.constant 32 : i32
      %add3A_451 = vector.broadcast %add3A_450 : i32 to vector<16xi32>
      %add3A_452 = arith.addi %add3A_451, %iota3A : vector<16xi32>
      tpu.vector_store_idx %arg5[%sub3A_442, %add3A_452], %broadcast_in_dim3A_3 masked %and3A_449 : memref<200x128xf32, #tpu.memory_space<vmem>>[vector<16xi32>, vector<16xi32>], vector<16xf32>, vector<16xi1>
      %get3A_453 = arith.index_cast %select_n3A_389 : i32 to index
      %get3A_454 = arith.constant 48 : index
      %get3A_455 = tpu.vector_load %arg4[%get3A_453, %get3A_454] {strides = array<i32>} : memref<26x128xi32, #tpu.memory_space<vmem>>, vector<16xi32>,
      %sub3A_456 = vector.broadcast %mul3A_407 : i32 to vector<16xi32>
      %sub3A_457 = arith.subi %get3A_455, %sub3A_456 : vector<16xi32>
      %ge3A_458 = arith.constant 0 : i32
      %ge3A_459 = vector.broadcast %ge3A_458 : i32 to vector<16xi32>
      %ge3A_460 = arith.cmpi sge, %sub3A_457, %ge3A_459 : vector<16xi32>
      %lt3A_461 = arith.constant 200 : i32
      %lt3A_462 = vector.broadcast %lt3A_461 : i32 to vector<16xi32>
      %lt3A_463 = arith.cmpi slt, %sub3A_457, %lt3A_462 : vector<16xi32>
      %and3A_464 = arith.andi %ge3A_460, %lt3A_463 : vector<16xi1>
      %add3A_465 = arith.constant 48 : i32
      %add3A_466 = vector.broadcast %add3A_465 : i32 to vector<16xi32>
      %add3A_467 = arith.addi %add3A_466, %iota3A : vector<16xi32>
      tpu.vector_store_idx %arg5[%sub3A_457, %add3A_467], %broadcast_in_dim3A_3 masked %and3A_464 : memref<200x128xf32, #tpu.memory_space<vmem>>[vector<16xi32>, vector<16xi32>], vector<16xf32>, vector<16xi1>
      %get3A_468 = arith.index_cast %select_n3A_389 : i32 to index
      %get3A_469 = arith.constant 64 : index
      %get3A_470 = tpu.vector_load %arg4[%get3A_468, %get3A_469] {strides = array<i32>} : memref<26x128xi32, #tpu.memory_space<vmem>>, vector<16xi32>,
      %sub3A_471 = vector.broadcast %mul3A_407 : i32 to vector<16xi32>
      %sub3A_472 = arith.subi %get3A_470, %sub3A_471 : vector<16xi32>
      %ge3A_473 = arith.constant 0 : i32
      %ge3A_474 = vector.broadcast %ge3A_473 : i32 to vector<16xi32>
      %ge3A_475 = arith.cmpi sge, %sub3A_472, %ge3A_474 : vector<16xi32>
      %lt3A_476 = arith.constant 200 : i32
      %lt3A_477 = vector.broadcast %lt3A_476 : i32 to vector<16xi32>
      %lt3A_478 = arith.cmpi slt, %sub3A_472, %lt3A_477 : vector<16xi32>
      %and3A_479 = arith.andi %ge3A_475, %lt3A_478 : vector<16xi1>
      %add3A_480 = arith.constant 64 : i32
      %add3A_481 = vector.broadcast %add3A_480 : i32 to vector<16xi32>
      %add3A_482 = arith.addi %add3A_481, %iota3A : vector<16xi32>
      tpu.vector_store_idx %arg5[%sub3A_472, %add3A_482], %broadcast_in_dim3A_3 masked %and3A_479 : memref<200x128xf32, #tpu.memory_space<vmem>>[vector<16xi32>, vector<16xi32>], vector<16xf32>, vector<16xi1>
      %get3A_483 = arith.index_cast %select_n3A_389 : i32 to index
      %get3A_484 = arith.constant 80 : index
      %get3A_485 = tpu.vector_load %arg4[%get3A_483, %get3A_484] {strides = array<i32>} : memref<26x128xi32, #tpu.memory_space<vmem>>, vector<16xi32>,
      %sub3A_486 = vector.broadcast %mul3A_407 : i32 to vector<16xi32>
      %sub3A_487 = arith.subi %get3A_485, %sub3A_486 : vector<16xi32>
      %ge3A_488 = arith.constant 0 : i32
      %ge3A_489 = vector.broadcast %ge3A_488 : i32 to vector<16xi32>
      %ge3A_490 = arith.cmpi sge, %sub3A_487, %ge3A_489 : vector<16xi32>
      %lt3A_491 = arith.constant 200 : i32
      %lt3A_492 = vector.broadcast %lt3A_491 : i32 to vector<16xi32>
      %lt3A_493 = arith.cmpi slt, %sub3A_487, %lt3A_492 : vector<16xi32>
      %and3A_494 = arith.andi %ge3A_490, %lt3A_493 : vector<16xi1>
      %add3A_495 = arith.constant 80 : i32
      %add3A_496 = vector.broadcast %add3A_495 : i32 to vector<16xi32>
      %add3A_497 = arith.addi %add3A_496, %iota3A : vector<16xi32>
      tpu.vector_store_idx %arg5[%sub3A_487, %add3A_497], %broadcast_in_dim3A_3 masked %and3A_494 : memref<200x128xf32, #tpu.memory_space<vmem>>[vector<16xi32>, vector<16xi32>], vector<16xf32>, vector<16xi1>
      %get3A_498 = arith.index_cast %select_n3A_389 : i32 to index
      %get3A_499 = arith.constant 96 : index
      %get3A_500 = tpu.vector_load %arg4[%get3A_498, %get3A_499] {strides = array<i32>} : memref<26x128xi32, #tpu.memory_space<vmem>>, vector<16xi32>,
      %sub3A_501 = vector.broadcast %mul3A_407 : i32 to vector<16xi32>
      %sub3A_502 = arith.subi %get3A_500, %sub3A_501 : vector<16xi32>
      %ge3A_503 = arith.constant 0 : i32
      %ge3A_504 = vector.broadcast %ge3A_503 : i32 to vector<16xi32>
      %ge3A_505 = arith.cmpi sge, %sub3A_502, %ge3A_504 : vector<16xi32>
      %lt3A_506 = arith.constant 200 : i32
      %lt3A_507 = vector.broadcast %lt3A_506 : i32 to vector<16xi32>
      %lt3A_508 = arith.cmpi slt, %sub3A_502, %lt3A_507 : vector<16xi32>
      %and3A_509 = arith.andi %ge3A_505, %lt3A_508 : vector<16xi1>
      %add3A_510 = arith.constant 96 : i32
      %add3A_511 = vector.broadcast %add3A_510 : i32 to vector<16xi32>
      %add3A_512 = arith.addi %add3A_511, %iota3A : vector<16xi32>
      tpu.vector_store_idx %arg5[%sub3A_502, %add3A_512], %broadcast_in_dim3A_3 masked %and3A_509 : memref<200x128xf32, #tpu.memory_space<vmem>>[vector<16xi32>, vector<16xi32>], vector<16xf32>, vector<16xi1>
      %get3A_513 = arith.index_cast %select_n3A_389 : i32 to index
      %get3A_514 = arith.constant 112 : index
      %get3A_515 = tpu.vector_load %arg4[%get3A_513, %get3A_514] {strides = array<i32>} : memref<26x128xi32, #tpu.memory_space<vmem>>, vector<16xi32>,
      %sub3A_516 = vector.broadcast %mul3A_407 : i32 to vector<16xi32>
      %sub3A_517 = arith.subi %get3A_515, %sub3A_516 : vector<16xi32>
      %ge3A_518 = arith.constant 0 : i32
      %ge3A_519 = vector.broadcast %ge3A_518 : i32 to vector<16xi32>
      %ge3A_520 = arith.cmpi sge, %sub3A_517, %ge3A_519 : vector<16xi32>
      %lt3A_521 = arith.constant 200 : i32
      %lt3A_522 = vector.broadcast %lt3A_521 : i32 to vector<16xi32>
      %lt3A_523 = arith.cmpi slt, %sub3A_517, %lt3A_522 : vector<16xi32>
      %and3A_524 = arith.andi %ge3A_520, %lt3A_523 : vector<16xi1>
      %add3A_525 = arith.constant 112 : i32
      %add3A_526 = vector.broadcast %add3A_525 : i32 to vector<16xi32>
      %add3A_527 = arith.addi %add3A_526, %iota3A : vector<16xi32>
      tpu.vector_store_idx %arg5[%sub3A_517, %add3A_527], %broadcast_in_dim3A_3 masked %and3A_524 : memref<200x128xf32, #tpu.memory_space<vmem>>[vector<16xi32>, vector<16xi32>], vector<16xf32>, vector<16xi1>
      %jit3A_528 = arith.constant 5 : i32
      %div3A_529 = arith.divsi %mul3A_322, %jit3A_528 : i32
      %sign3A_530 = arith.constant 0 : i32
      %sign3A_531 = arith.cmpi sgt, %mul3A_322, %sign3A_530 : i32
      %sign3A_532 = arith.extui %sign3A_531 : i1 to i32
      %sign3A_533 = arith.constant 0 : i32
      %sign3A_534 = arith.cmpi slt, %mul3A_322, %sign3A_533 : i32
      %sign3A_535 = arith.extui %sign3A_534 : i1 to i32
      %sign3A_536 = arith.subi %sign3A_532, %sign3A_535 : i32
      %sign3A_537 = arith.constant 0 : i32
      %sign3A_538 = arith.cmpi sgt, %jit3A_528, %sign3A_537 : i32
      %sign3A_539 = arith.extui %sign3A_538 : i1 to i32
      %sign3A_540 = arith.constant 0 : i32
      %sign3A_541 = arith.cmpi slt, %jit3A_528, %sign3A_540 : i32
      %sign3A_542 = arith.extui %sign3A_541 : i1 to i32
      %sign3A_543 = arith.subi %sign3A_539, %sign3A_542 : i32
      %ne3A_544 = arith.cmpi ne, %sign3A_536, %sign3A_543 : i32
      %rem3A_545 = arith.remsi %mul3A_322, %jit3A_528 : i32
      %ne3A_546 = arith.constant 0 : i32
      %ne3A_547 = arith.cmpi ne, %rem3A_545, %ne3A_546 : i32
      %and3A_548 = arith.andi %ne3A_544, %ne3A_547 : i1
      %sub3A_549 = arith.constant 1 : i32
      %sub3A_550 = arith.subi %div3A_529, %sub3A_549 : i32
      %select_n3A_551 = arith.select %and3A_548, %sub3A_550, %div3A_529 : i32
      %jit3A_552 = arith.constant 5 : i32
      %eq3A_553 = arith.constant 0 : i32
      %eq3A_554 = arith.cmpi eq, %jit3A_552, %eq3A_553 : i32
      %jit3A_555 = arith.constant 1 : i32
      %select_n3A_556 = arith.select %eq3A_554, %jit3A_555, %jit3A_552 : i32
      %rem3A_557 = arith.remsi %mul3A_322, %select_n3A_556 : i32
      %ne3A_558 = arith.constant 0 : i32
      %ne3A_559 = arith.cmpi ne, %rem3A_557, %ne3A_558 : i32
      %lt3A_560 = arith.constant 0 : i32
      %lt3A_561 = arith.cmpi slt, %rem3A_557, %lt3A_560 : i32
      %lt3A_562 = arith.constant 0 : i32
      %lt3A_563 = arith.cmpi slt, %select_n3A_556, %lt3A_562 : i32
      %ne3A_564 = arith.xori %lt3A_561, %lt3A_563 : i1
      %and3A_565 = arith.andi %ne3A_564, %ne3A_559 : i1
      %add3A_566 = arith.addi %rem3A_557, %select_n3A_556 : i32
      %select_n3A_567 = arith.select %and3A_565, %add3A_566, %rem3A_557 : i32
      %mul3A_568 = arith.constant 200 : i32
      %mul3A_569 = arith.muli %select_n3A_567, %mul3A_568 : i32
      %get3A_570 = arith.index_cast %select_n3A_551 : i32 to index
      %get3A_571 = arith.constant 0 : index
      %get3A_572 = tpu.vector_load %arg4[%get3A_570, %get3A_571] {strides = array<i32>} : memref<26x128xi32, #tpu.memory_space<vmem>>, vector<16xi32>,
      %sub3A_573 = vector.broadcast %mul3A_569 : i32 to vector<16xi32>
      %sub3A_574 = arith.subi %get3A_572, %sub3A_573 : vector<16xi32>
      %ge3A_575 = arith.constant 0 : i32
      %ge3A_576 = vector.broadcast %ge3A_575 : i32 to vector<16xi32>
      %ge3A_577 = arith.cmpi sge, %sub3A_574, %ge3A_576 : vector<16xi32>
      %lt3A_578 = arith.constant 200 : i32
      %lt3A_579 = vector.broadcast %lt3A_578 : i32 to vector<16xi32>
      %lt3A_580 = arith.cmpi slt, %sub3A_574, %lt3A_579 : vector<16xi32>
      %and3A_581 = arith.andi %ge3A_577, %lt3A_580 : vector<16xi1>
      %add3A_582 = arith.constant 0 : i32
      %add3A_583 = vector.broadcast %add3A_582 : i32 to vector<16xi32>
      %add3A_584 = arith.addi %add3A_583, %iota3A : vector<16xi32>
      tpu.vector_store_idx %arg5[%sub3A_574, %add3A_584], %broadcast_in_dim3A_5 masked %and3A_581 : memref<200x128xf32, #tpu.memory_space<vmem>>[vector<16xi32>, vector<16xi32>], vector<16xf32>, vector<16xi1>
      %get3A_585 = arith.index_cast %select_n3A_551 : i32 to index
      %get3A_586 = arith.constant 16 : index
      %get3A_587 = tpu.vector_load %arg4[%get3A_585, %get3A_586] {strides = array<i32>} : memref<26x128xi32, #tpu.memory_space<vmem>>, vector<16xi32>,
      %sub3A_588 = vector.broadcast %mul3A_569 : i32 to vector<16xi32>
      %sub3A_589 = arith.subi %get3A_587, %sub3A_588 : vector<16xi32>
      %ge3A_590 = arith.constant 0 : i32
      %ge3A_591 = vector.broadcast %ge3A_590 : i32 to vector<16xi32>
      %ge3A_592 = arith.cmpi sge, %sub3A_589, %ge3A_591 : vector<16xi32>
      %lt3A_593 = arith.constant 200 : i32
      %lt3A_594 = vector.broadcast %lt3A_593 : i32 to vector<16xi32>
      %lt3A_595 = arith.cmpi slt, %sub3A_589, %lt3A_594 : vector<16xi32>
      %and3A_596 = arith.andi %ge3A_592, %lt3A_595 : vector<16xi1>
      %add3A_597 = arith.constant 16 : i32
      %add3A_598 = vector.broadcast %add3A_597 : i32 to vector<16xi32>
      %add3A_599 = arith.addi %add3A_598, %iota3A : vector<16xi32>
      tpu.vector_store_idx %arg5[%sub3A_589, %add3A_599], %broadcast_in_dim3A_5 masked %and3A_596 : memref<200x128xf32, #tpu.memory_space<vmem>>[vector<16xi32>, vector<16xi32>], vector<16xf32>, vector<16xi1>
      %get3A_600 = arith.index_cast %select_n3A_551 : i32 to index
      %get3A_601 = arith.constant 32 : index
      %get3A_602 = tpu.vector_load %arg4[%get3A_600, %get3A_601] {strides = array<i32>} : memref<26x128xi32, #tpu.memory_space<vmem>>, vector<16xi32>,
      %sub3A_603 = vector.broadcast %mul3A_569 : i32 to vector<16xi32>
      %sub3A_604 = arith.subi %get3A_602, %sub3A_603 : vector<16xi32>
      %ge3A_605 = arith.constant 0 : i32
      %ge3A_606 = vector.broadcast %ge3A_605 : i32 to vector<16xi32>
      %ge3A_607 = arith.cmpi sge, %sub3A_604, %ge3A_606 : vector<16xi32>
      %lt3A_608 = arith.constant 200 : i32
      %lt3A_609 = vector.broadcast %lt3A_608 : i32 to vector<16xi32>
      %lt3A_610 = arith.cmpi slt, %sub3A_604, %lt3A_609 : vector<16xi32>
      %and3A_611 = arith.andi %ge3A_607, %lt3A_610 : vector<16xi1>
      %add3A_612 = arith.constant 32 : i32
      %add3A_613 = vector.broadcast %add3A_612 : i32 to vector<16xi32>
      %add3A_614 = arith.addi %add3A_613, %iota3A : vector<16xi32>
      tpu.vector_store_idx %arg5[%sub3A_604, %add3A_614], %broadcast_in_dim3A_5 masked %and3A_611 : memref<200x128xf32, #tpu.memory_space<vmem>>[vector<16xi32>, vector<16xi32>], vector<16xf32>, vector<16xi1>
      %get3A_615 = arith.index_cast %select_n3A_551 : i32 to index
      %get3A_616 = arith.constant 48 : index
      %get3A_617 = tpu.vector_load %arg4[%get3A_615, %get3A_616] {strides = array<i32>} : memref<26x128xi32, #tpu.memory_space<vmem>>, vector<16xi32>,
      %sub3A_618 = vector.broadcast %mul3A_569 : i32 to vector<16xi32>
      %sub3A_619 = arith.subi %get3A_617, %sub3A_618 : vector<16xi32>
      %ge3A_620 = arith.constant 0 : i32
      %ge3A_621 = vector.broadcast %ge3A_620 : i32 to vector<16xi32>
      %ge3A_622 = arith.cmpi sge, %sub3A_619, %ge3A_621 : vector<16xi32>
      %lt3A_623 = arith.constant 200 : i32
      %lt3A_624 = vector.broadcast %lt3A_623 : i32 to vector<16xi32>
      %lt3A_625 = arith.cmpi slt, %sub3A_619, %lt3A_624 : vector<16xi32>
      %and3A_626 = arith.andi %ge3A_622, %lt3A_625 : vector<16xi1>
      %add3A_627 = arith.constant 48 : i32
      %add3A_628 = vector.broadcast %add3A_627 : i32 to vector<16xi32>
      %add3A_629 = arith.addi %add3A_628, %iota3A : vector<16xi32>
      tpu.vector_store_idx %arg5[%sub3A_619, %add3A_629], %broadcast_in_dim3A_5 masked %and3A_626 : memref<200x128xf32, #tpu.memory_space<vmem>>[vector<16xi32>, vector<16xi32>], vector<16xf32>, vector<16xi1>
      %get3A_630 = arith.index_cast %select_n3A_551 : i32 to index
      %get3A_631 = arith.constant 64 : index
      %get3A_632 = tpu.vector_load %arg4[%get3A_630, %get3A_631] {strides = array<i32>} : memref<26x128xi32, #tpu.memory_space<vmem>>, vector<16xi32>,
      %sub3A_633 = vector.broadcast %mul3A_569 : i32 to vector<16xi32>
      %sub3A_634 = arith.subi %get3A_632, %sub3A_633 : vector<16xi32>
      %ge3A_635 = arith.constant 0 : i32
      %ge3A_636 = vector.broadcast %ge3A_635 : i32 to vector<16xi32>
      %ge3A_637 = arith.cmpi sge, %sub3A_634, %ge3A_636 : vector<16xi32>
      %lt3A_638 = arith.constant 200 : i32
      %lt3A_639 = vector.broadcast %lt3A_638 : i32 to vector<16xi32>
      %lt3A_640 = arith.cmpi slt, %sub3A_634, %lt3A_639 : vector<16xi32>
      %and3A_641 = arith.andi %ge3A_637, %lt3A_640 : vector<16xi1>
      %add3A_642 = arith.constant 64 : i32
      %add3A_643 = vector.broadcast %add3A_642 : i32 to vector<16xi32>
      %add3A_644 = arith.addi %add3A_643, %iota3A : vector<16xi32>
      tpu.vector_store_idx %arg5[%sub3A_634, %add3A_644], %broadcast_in_dim3A_5 masked %and3A_641 : memref<200x128xf32, #tpu.memory_space<vmem>>[vector<16xi32>, vector<16xi32>], vector<16xf32>, vector<16xi1>
      %get3A_645 = arith.index_cast %select_n3A_551 : i32 to index
      %get3A_646 = arith.constant 80 : index
      %get3A_647 = tpu.vector_load %arg4[%get3A_645, %get3A_646] {strides = array<i32>} : memref<26x128xi32, #tpu.memory_space<vmem>>, vector<16xi32>,
      %sub3A_648 = vector.broadcast %mul3A_569 : i32 to vector<16xi32>
      %sub3A_649 = arith.subi %get3A_647, %sub3A_648 : vector<16xi32>
      %ge3A_650 = arith.constant 0 : i32
      %ge3A_651 = vector.broadcast %ge3A_650 : i32 to vector<16xi32>
      %ge3A_652 = arith.cmpi sge, %sub3A_649, %ge3A_651 : vector<16xi32>
      %lt3A_653 = arith.constant 200 : i32
      %lt3A_654 = vector.broadcast %lt3A_653 : i32 to vector<16xi32>
      %lt3A_655 = arith.cmpi slt, %sub3A_649, %lt3A_654 : vector<16xi32>
      %and3A_656 = arith.andi %ge3A_652, %lt3A_655 : vector<16xi1>
      %add3A_657 = arith.constant 80 : i32
      %add3A_658 = vector.broadcast %add3A_657 : i32 to vector<16xi32>
      %add3A_659 = arith.addi %add3A_658, %iota3A : vector<16xi32>
      tpu.vector_store_idx %arg5[%sub3A_649, %add3A_659], %broadcast_in_dim3A_5 masked %and3A_656 : memref<200x128xf32, #tpu.memory_space<vmem>>[vector<16xi32>, vector<16xi32>], vector<16xf32>, vector<16xi1>
      %get3A_660 = arith.index_cast %select_n3A_551 : i32 to index
      %get3A_661 = arith.constant 96 : index
      %get3A_662 = tpu.vector_load %arg4[%get3A_660, %get3A_661] {strides = array<i32>} : memref<26x128xi32, #tpu.memory_space<vmem>>, vector<16xi32>,
      %sub3A_663 = vector.broadcast %mul3A_569 : i32 to vector<16xi32>
      %sub3A_664 = arith.subi %get3A_662, %sub3A_663 : vector<16xi32>
      %ge3A_665 = arith.constant 0 : i32
      %ge3A_666 = vector.broadcast %ge3A_665 : i32 to vector<16xi32>
      %ge3A_667 = arith.cmpi sge, %sub3A_664, %ge3A_666 : vector<16xi32>
      %lt3A_668 = arith.constant 200 : i32
      %lt3A_669 = vector.broadcast %lt3A_668 : i32 to vector<16xi32>
      %lt3A_670 = arith.cmpi slt, %sub3A_664, %lt3A_669 : vector<16xi32>
      %and3A_671 = arith.andi %ge3A_667, %lt3A_670 : vector<16xi1>
      %add3A_672 = arith.constant 96 : i32
      %add3A_673 = vector.broadcast %add3A_672 : i32 to vector<16xi32>
      %add3A_674 = arith.addi %add3A_673, %iota3A : vector<16xi32>
      tpu.vector_store_idx %arg5[%sub3A_664, %add3A_674], %broadcast_in_dim3A_5 masked %and3A_671 : memref<200x128xf32, #tpu.memory_space<vmem>>[vector<16xi32>, vector<16xi32>], vector<16xf32>, vector<16xi1>
      %get3A_675 = arith.index_cast %select_n3A_551 : i32 to index
      %get3A_676 = arith.constant 112 : index
      %get3A_677 = tpu.vector_load %arg4[%get3A_675, %get3A_676] {strides = array<i32>} : memref<26x128xi32, #tpu.memory_space<vmem>>, vector<16xi32>,
      %sub3A_678 = vector.broadcast %mul3A_569 : i32 to vector<16xi32>
      %sub3A_679 = arith.subi %get3A_677, %sub3A_678 : vector<16xi32>
      %ge3A_680 = arith.constant 0 : i32
      %ge3A_681 = vector.broadcast %ge3A_680 : i32 to vector<16xi32>
      %ge3A_682 = arith.cmpi sge, %sub3A_679, %ge3A_681 : vector<16xi32>
      %lt3A_683 = arith.constant 200 : i32
      %lt3A_684 = vector.broadcast %lt3A_683 : i32 to vector<16xi32>
      %lt3A_685 = arith.cmpi slt, %sub3A_679, %lt3A_684 : vector<16xi32>
      %and3A_686 = arith.andi %ge3A_682, %lt3A_685 : vector<16xi1>
      %add3A_687 = arith.constant 112 : i32
      %add3A_688 = vector.broadcast %add3A_687 : i32 to vector<16xi32>
      %add3A_689 = arith.addi %add3A_688, %iota3A : vector<16xi32>
      tpu.vector_store_idx %arg5[%sub3A_679, %add3A_689], %broadcast_in_dim3A_5 masked %and3A_686 : memref<200x128xf32, #tpu.memory_space<vmem>>[vector<16xi32>, vector<16xi32>], vector<16xf32>, vector<16xi1>
      %jit3A_690 = arith.constant 5 : i32
      %div3A_691 = arith.divsi %mul3A_322, %jit3A_690 : i32
      %sign3A_692 = arith.constant 0 : i32
      %sign3A_693 = arith.cmpi sgt, %mul3A_322, %sign3A_692 : i32
      %sign3A_694 = arith.extui %sign3A_693 : i1 to i32
      %sign3A_695 = arith.constant 0 : i32
      %sign3A_696 = arith.cmpi slt, %mul3A_322, %sign3A_695 : i32
      %sign3A_697 = arith.extui %sign3A_696 : i1 to i32
      %sign3A_698 = arith.subi %sign3A_694, %sign3A_697 : i32
      %sign3A_699 = arith.constant 0 : i32
      %sign3A_700 = arith.cmpi sgt, %jit3A_690, %sign3A_699 : i32
      %sign3A_701 = arith.extui %sign3A_700 : i1 to i32
      %sign3A_702 = arith.constant 0 : i32
      %sign3A_703 = arith.cmpi slt, %jit3A_690, %sign3A_702 : i32
      %sign3A_704 = arith.extui %sign3A_703 : i1 to i32
      %sign3A_705 = arith.subi %sign3A_701, %sign3A_704 : i32
      %ne3A_706 = arith.cmpi ne, %sign3A_698, %sign3A_705 : i32
      %rem3A_707 = arith.remsi %mul3A_322, %jit3A_690 : i32
      %ne3A_708 = arith.constant 0 : i32
      %ne3A_709 = arith.cmpi ne, %rem3A_707, %ne3A_708 : i32
      %and3A_710 = arith.andi %ne3A_706, %ne3A_709 : i1
      %sub3A_711 = arith.constant 1 : i32
      %sub3A_712 = arith.subi %div3A_691, %sub3A_711 : i32
      %select_n3A_713 = arith.select %and3A_710, %sub3A_712, %div3A_691 : i32
      %jit3A_714 = arith.constant 5 : i32
      %eq3A_715 = arith.constant 0 : i32
      %eq3A_716 = arith.cmpi eq, %jit3A_714, %eq3A_715 : i32
      %jit3A_717 = arith.constant 1 : i32
      %select_n3A_718 = arith.select %eq3A_716, %jit3A_717, %jit3A_714 : i32
      %rem3A_719 = arith.remsi %mul3A_322, %select_n3A_718 : i32
      %ne3A_720 = arith.constant 0 : i32
      %ne3A_721 = arith.cmpi ne, %rem3A_719, %ne3A_720 : i32
      %lt3A_722 = arith.constant 0 : i32
      %lt3A_723 = arith.cmpi slt, %rem3A_719, %lt3A_722 : i32
      %lt3A_724 = arith.constant 0 : i32
      %lt3A_725 = arith.cmpi slt, %select_n3A_718, %lt3A_724 : i32
      %ne3A_726 = arith.xori %lt3A_723, %lt3A_725 : i1
      %and3A_727 = arith.andi %ne3A_726, %ne3A_721 : i1
      %add3A_728 = arith.addi %rem3A_719, %select_n3A_718 : i32
      %select_n3A_729 = arith.select %and3A_727, %add3A_728, %rem3A_719 : i32
      %mul3A_730 = arith.constant 200 : i32
      %mul3A_731 = arith.muli %select_n3A_729, %mul3A_730 : i32
      %dma_start3A_732 = tpu.memref_slice %arg3[%select_n3A_713, %mul3A_731, %mul3A_2] : memref<26x1000x4096xf32, #tpu.memory_space<hbm>> -> memref<1x200x128xf32, #tpu.memory_space<hbm>>
      %dma_start3A_733 = tpu.memref_squeeze %dma_start3A_732 : memref<1x200x128xf32, #tpu.memory_space<hbm>> -> memref<200x128xf32, #tpu.memory_space<hbm>>
      %dma_start3A_734 = tpu.memref_slice %arg3[%select_n3A_713, %mul3A_731, %mul3A_2] : memref<26x1000x4096xf32, #tpu.memory_space<hbm>> -> memref<1x200x128xf32, #tpu.memory_space<hbm>>
      %dma_start3A_735 = tpu.memref_squeeze %dma_start3A_734 : memref<1x200x128xf32, #tpu.memory_space<hbm>> -> memref<200x128xf32, #tpu.memory_space<hbm>>
      tpu.enqueue_dma source(%arg5 : memref<200x128xf32, #tpu.memory_space<vmem>>) target(%dma_start3A_735 : memref<200x128xf32, #tpu.memory_space<hbm>>) target_semaphore(%arg7 : memref<!tpu.dma_semaphore, #tpu.memory_space<semaphore_mem>>)
      %mul3A_736 = arith.constant 2 : i32
      %mul3A_737 = arith.muli %mul3A_736, %scan3A_319 : i32
      %add3A_738 = arith.constant 1 : i32
      %add3A_739 = arith.addi %mul3A_737, %add3A_738 : i32
      %sub3A_740 = arith.constant 2 : i32
      %sub3A_741 = arith.subi %add3A_739, %sub3A_740 : i32
      %jit3A_742 = arith.constant 5 : i32
      %div3A_743 = arith.divsi %sub3A_741, %jit3A_742 : i32
      %sign3A_744 = arith.constant 0 : i32
      %sign3A_745 = arith.cmpi sgt, %sub3A_741, %sign3A_744 : i32
      %sign3A_746 = arith.extui %sign3A_745 : i1 to i32
      %sign3A_747 = arith.constant 0 : i32
      %sign3A_748 = arith.cmpi slt, %sub3A_741, %sign3A_747 : i32
      %sign3A_749 = arith.extui %sign3A_748 : i1 to i32
      %sign3A_750 = arith.subi %sign3A_746, %sign3A_749 : i32
      %sign3A_751 = arith.constant 0 : i32
      %sign3A_752 = arith.cmpi sgt, %jit3A_742, %sign3A_751 : i32
      %sign3A_753 = arith.extui %sign3A_752 : i1 to i32
      %sign3A_754 = arith.constant 0 : i32
      %sign3A_755 = arith.cmpi slt, %jit3A_742, %sign3A_754 : i32
      %sign3A_756 = arith.extui %sign3A_755 : i1 to i32
      %sign3A_757 = arith.subi %sign3A_753, %sign3A_756 : i32
      %ne3A_758 = arith.cmpi ne, %sign3A_750, %sign3A_757 : i32
      %rem3A_759 = arith.remsi %sub3A_741, %jit3A_742 : i32
      %ne3A_760 = arith.constant 0 : i32
      %ne3A_761 = arith.cmpi ne, %rem3A_759, %ne3A_760 : i32
      %and3A_762 = arith.andi %ne3A_758, %ne3A_761 : i1
      %sub3A_763 = arith.constant 1 : i32
      %sub3A_764 = arith.subi %div3A_743, %sub3A_763 : i32
      %select_n3A_765 = arith.select %and3A_762, %sub3A_764, %div3A_743 : i32
      %jit3A_766 = arith.constant 5 : i32
      %eq3A_767 = arith.constant 0 : i32
      %eq3A_768 = arith.cmpi eq, %jit3A_766, %eq3A_767 : i32
      %jit3A_769 = arith.constant 1 : i32
      %select_n3A_770 = arith.select %eq3A_768, %jit3A_769, %jit3A_766 : i32
      %rem3A_771 = arith.remsi %sub3A_741, %select_n3A_770 : i32
      %ne3A_772 = arith.constant 0 : i32
      %ne3A_773 = arith.cmpi ne, %rem3A_771, %ne3A_772 : i32
      %lt3A_774 = arith.constant 0 : i32
      %lt3A_775 = arith.cmpi slt, %rem3A_771, %lt3A_774 : i32
      %lt3A_776 = arith.constant 0 : i32
      %lt3A_777 = arith.cmpi slt, %select_n3A_770, %lt3A_776 : i32
      %ne3A_778 = arith.xori %lt3A_775, %lt3A_777 : i1
      %and3A_779 = arith.andi %ne3A_778, %ne3A_773 : i1
      %add3A_780 = arith.addi %rem3A_771, %select_n3A_770 : i32
      %select_n3A_781 = arith.select %and3A_779, %add3A_780, %rem3A_771 : i32
      %mul3A_782 = arith.constant 200 : i32
      %mul3A_783 = arith.muli %select_n3A_781, %mul3A_782 : i32
      %dma_wait3A_784 = tpu.memref_slice %arg3[%select_n3A_765, %mul3A_783, %mul3A_2] : memref<26x1000x4096xf32, #tpu.memory_space<hbm>> -> memref<1x200x128xf32, #tpu.memory_space<hbm>>
      %dma_wait3A_785 = tpu.memref_squeeze %dma_wait3A_784 : memref<1x200x128xf32, #tpu.memory_space<hbm>> -> memref<200x128xf32, #tpu.memory_space<hbm>>
      %dma_wait3A_786 = tpu.memref_slice %arg3[%select_n3A_765, %mul3A_783, %mul3A_2] : memref<26x1000x4096xf32, #tpu.memory_space<hbm>> -> memref<1x200x128xf32, #tpu.memory_space<hbm>>
      %dma_wait3A_787 = tpu.memref_squeeze %dma_wait3A_786 : memref<1x200x128xf32, #tpu.memory_space<hbm>> -> memref<200x128xf32, #tpu.memory_space<hbm>>
      tpu.wait_dma2 semaphore(%arg8 : memref<!tpu.dma_semaphore, #tpu.memory_space<semaphore_mem>>) src(%arg6 : memref<200x128xf32, #tpu.memory_space<vmem>>) dst(%dma_wait3A_787 : memref<200x128xf32, #tpu.memory_space<hbm>>)
      %sub3A_788 = arith.constant 2 : i32
      %sub3A_789 = arith.subi %add3A_739, %sub3A_788 : i32
      %jit3A_790 = arith.constant 5 : i32
      %div3A_791 = arith.divsi %sub3A_789, %jit3A_790 : i32
      %sign3A_792 = arith.constant 0 : i32
      %sign3A_793 = arith.cmpi sgt, %sub3A_789, %sign3A_792 : i32
      %sign3A_794 = arith.extui %sign3A_793 : i1 to i32
      %sign3A_795 = arith.constant 0 : i32
      %sign3A_796 = arith.cmpi slt, %sub3A_789, %sign3A_795 : i32
      %sign3A_797 = arith.extui %sign3A_796 : i1 to i32
      %sign3A_798 = arith.subi %sign3A_794, %sign3A_797 : i32
      %sign3A_799 = arith.constant 0 : i32
      %sign3A_800 = arith.cmpi sgt, %jit3A_790, %sign3A_799 : i32
      %sign3A_801 = arith.extui %sign3A_800 : i1 to i32
      %sign3A_802 = arith.constant 0 : i32
      %sign3A_803 = arith.cmpi slt, %jit3A_790, %sign3A_802 : i32
      %sign3A_804 = arith.extui %sign3A_803 : i1 to i32
      %sign3A_805 = arith.subi %sign3A_801, %sign3A_804 : i32
      %ne3A_806 = arith.cmpi ne, %sign3A_798, %sign3A_805 : i32
      %rem3A_807 = arith.remsi %sub3A_789, %jit3A_790 : i32
      %ne3A_808 = arith.constant 0 : i32
      %ne3A_809 = arith.cmpi ne, %rem3A_807, %ne3A_808 : i32
      %and3A_810 = arith.andi %ne3A_806, %ne3A_809 : i1
      %sub3A_811 = arith.constant 1 : i32
      %sub3A_812 = arith.subi %div3A_791, %sub3A_811 : i32
      %select_n3A_813 = arith.select %and3A_810, %sub3A_812, %div3A_791 : i32
      %jit3A_814 = arith.constant 5 : i32
      %eq3A_815 = arith.constant 0 : i32
      %eq3A_816 = arith.cmpi eq, %jit3A_814, %eq3A_815 : i32
      %jit3A_817 = arith.constant 1 : i32
      %select_n3A_818 = arith.select %eq3A_816, %jit3A_817, %jit3A_814 : i32
      %rem3A_819 = arith.remsi %sub3A_789, %select_n3A_818 : i32
      %ne3A_820 = arith.constant 0 : i32
      %ne3A_821 = arith.cmpi ne, %rem3A_819, %ne3A_820 : i32
      %lt3A_822 = arith.constant 0 : i32
      %lt3A_823 = arith.cmpi slt, %rem3A_819, %lt3A_822 : i32
      %lt3A_824 = arith.constant 0 : i32
      %lt3A_825 = arith.cmpi slt, %select_n3A_818, %lt3A_824 : i32
      %ne3A_826 = arith.xori %lt3A_823, %lt3A_825 : i1
      %and3A_827 = arith.andi %ne3A_826, %ne3A_821 : i1
      %add3A_828 = arith.addi %rem3A_819, %select_n3A_818 : i32
      %select_n3A_829 = arith.select %and3A_827, %add3A_828, %rem3A_819 : i32
      %mul3A_830 = arith.constant 200 : i32
      %mul3A_831 = arith.muli %select_n3A_829, %mul3A_830 : i32
      %get3A_832 = arith.index_cast %select_n3A_813 : i32 to index
      %get3A_833 = arith.constant 0 : index
      %get3A_834 = tpu.vector_load %arg4[%get3A_832, %get3A_833] {strides = array<i32>} : memref<26x128xi32, #tpu.memory_space<vmem>>, vector<16xi32>,
      %sub3A_835 = vector.broadcast %mul3A_831 : i32 to vector<16xi32>
      %sub3A_836 = arith.subi %get3A_834, %sub3A_835 : vector<16xi32>
      %ge3A_837 = arith.constant 0 : i32
      %ge3A_838 = vector.broadcast %ge3A_837 : i32 to vector<16xi32>
      %ge3A_839 = arith.cmpi sge, %sub3A_836, %ge3A_838 : vector<16xi32>
      %lt3A_840 = arith.constant 200 : i32
      %lt3A_841 = vector.broadcast %lt3A_840 : i32 to vector<16xi32>
      %lt3A_842 = arith.cmpi slt, %sub3A_836, %lt3A_841 : vector<16xi32>
      %and3A_843 = arith.andi %ge3A_839, %lt3A_842 : vector<16xi1>
      %add3A_844 = arith.constant 0 : i32
      %add3A_845 = vector.broadcast %add3A_844 : i32 to vector<16xi32>
      %add3A_846 = arith.addi %add3A_845, %iota3A : vector<16xi32>
      tpu.vector_store_idx %arg6[%sub3A_836, %add3A_846], %broadcast_in_dim3A_3 masked %and3A_843 : memref<200x128xf32, #tpu.memory_space<vmem>>[vector<16xi32>, vector<16xi32>], vector<16xf32>, vector<16xi1>
      %get3A_847 = arith.index_cast %select_n3A_813 : i32 to index
      %get3A_848 = arith.constant 16 : index
      %get3A_849 = tpu.vector_load %arg4[%get3A_847, %get3A_848] {strides = array<i32>} : memref<26x128xi32, #tpu.memory_space<vmem>>, vector<16xi32>,
      %sub3A_850 = vector.broadcast %mul3A_831 : i32 to vector<16xi32>
      %sub3A_851 = arith.subi %get3A_849, %sub3A_850 : vector<16xi32>
      %ge3A_852 = arith.constant 0 : i32
      %ge3A_853 = vector.broadcast %ge3A_852 : i32 to vector<16xi32>
      %ge3A_854 = arith.cmpi sge, %sub3A_851, %ge3A_853 : vector<16xi32>
      %lt3A_855 = arith.constant 200 : i32
      %lt3A_856 = vector.broadcast %lt3A_855 : i32 to vector<16xi32>
      %lt3A_857 = arith.cmpi slt, %sub3A_851, %lt3A_856 : vector<16xi32>
      %and3A_858 = arith.andi %ge3A_854, %lt3A_857 : vector<16xi1>
      %add3A_859 = arith.constant 16 : i32
      %add3A_860 = vector.broadcast %add3A_859 : i32 to vector<16xi32>
      %add3A_861 = arith.addi %add3A_860, %iota3A : vector<16xi32>
      tpu.vector_store_idx %arg6[%sub3A_851, %add3A_861], %broadcast_in_dim3A_3 masked %and3A_858 : memref<200x128xf32, #tpu.memory_space<vmem>>[vector<16xi32>, vector<16xi32>], vector<16xf32>, vector<16xi1>
      %get3A_862 = arith.index_cast %select_n3A_813 : i32 to index
      %get3A_863 = arith.constant 32 : index
      %get3A_864 = tpu.vector_load %arg4[%get3A_862, %get3A_863] {strides = array<i32>} : memref<26x128xi32, #tpu.memory_space<vmem>>, vector<16xi32>,
      %sub3A_865 = vector.broadcast %mul3A_831 : i32 to vector<16xi32>
      %sub3A_866 = arith.subi %get3A_864, %sub3A_865 : vector<16xi32>
      %ge3A_867 = arith.constant 0 : i32
      %ge3A_868 = vector.broadcast %ge3A_867 : i32 to vector<16xi32>
      %ge3A_869 = arith.cmpi sge, %sub3A_866, %ge3A_868 : vector<16xi32>
      %lt3A_870 = arith.constant 200 : i32
      %lt3A_871 = vector.broadcast %lt3A_870 : i32 to vector<16xi32>
      %lt3A_872 = arith.cmpi slt, %sub3A_866, %lt3A_871 : vector<16xi32>
      %and3A_873 = arith.andi %ge3A_869, %lt3A_872 : vector<16xi1>
      %add3A_874 = arith.constant 32 : i32
      %add3A_875 = vector.broadcast %add3A_874 : i32 to vector<16xi32>
      %add3A_876 = arith.addi %add3A_875, %iota3A : vector<16xi32>
      tpu.vector_store_idx %arg6[%sub3A_866, %add3A_876], %broadcast_in_dim3A_3 masked %and3A_873 : memref<200x128xf32, #tpu.memory_space<vmem>>[vector<16xi32>, vector<16xi32>], vector<16xf32>, vector<16xi1>
      %get3A_877 = arith.index_cast %select_n3A_813 : i32 to index
      %get3A_878 = arith.constant 48 : index
      %get3A_879 = tpu.vector_load %arg4[%get3A_877, %get3A_878] {strides = array<i32>} : memref<26x128xi32, #tpu.memory_space<vmem>>, vector<16xi32>,
      %sub3A_880 = vector.broadcast %mul3A_831 : i32 to vector<16xi32>
      %sub3A_881 = arith.subi %get3A_879, %sub3A_880 : vector<16xi32>
      %ge3A_882 = arith.constant 0 : i32
      %ge3A_883 = vector.broadcast %ge3A_882 : i32 to vector<16xi32>
      %ge3A_884 = arith.cmpi sge, %sub3A_881, %ge3A_883 : vector<16xi32>
      %lt3A_885 = arith.constant 200 : i32
      %lt3A_886 = vector.broadcast %lt3A_885 : i32 to vector<16xi32>
      %lt3A_887 = arith.cmpi slt, %sub3A_881, %lt3A_886 : vector<16xi32>
      %and3A_888 = arith.andi %ge3A_884, %lt3A_887 : vector<16xi1>
      %add3A_889 = arith.constant 48 : i32
      %add3A_890 = vector.broadcast %add3A_889 : i32 to vector<16xi32>
      %add3A_891 = arith.addi %add3A_890, %iota3A : vector<16xi32>
      tpu.vector_store_idx %arg6[%sub3A_881, %add3A_891], %broadcast_in_dim3A_3 masked %and3A_888 : memref<200x128xf32, #tpu.memory_space<vmem>>[vector<16xi32>, vector<16xi32>], vector<16xf32>, vector<16xi1>
      %get3A_892 = arith.index_cast %select_n3A_813 : i32 to index
      %get3A_893 = arith.constant 64 : index
      %get3A_894 = tpu.vector_load %arg4[%get3A_892, %get3A_893] {strides = array<i32>} : memref<26x128xi32, #tpu.memory_space<vmem>>, vector<16xi32>,
      %sub3A_895 = vector.broadcast %mul3A_831 : i32 to vector<16xi32>
      %sub3A_896 = arith.subi %get3A_894, %sub3A_895 : vector<16xi32>
      %ge3A_897 = arith.constant 0 : i32
      %ge3A_898 = vector.broadcast %ge3A_897 : i32 to vector<16xi32>
      %ge3A_899 = arith.cmpi sge, %sub3A_896, %ge3A_898 : vector<16xi32>
      %lt3A_900 = arith.constant 200 : i32
      %lt3A_901 = vector.broadcast %lt3A_900 : i32 to vector<16xi32>
      %lt3A_902 = arith.cmpi slt, %sub3A_896, %lt3A_901 : vector<16xi32>
      %and3A_903 = arith.andi %ge3A_899, %lt3A_902 : vector<16xi1>
      %add3A_904 = arith.constant 64 : i32
      %add3A_905 = vector.broadcast %add3A_904 : i32 to vector<16xi32>
      %add3A_906 = arith.addi %add3A_905, %iota3A : vector<16xi32>
      tpu.vector_store_idx %arg6[%sub3A_896, %add3A_906], %broadcast_in_dim3A_3 masked %and3A_903 : memref<200x128xf32, #tpu.memory_space<vmem>>[vector<16xi32>, vector<16xi32>], vector<16xf32>, vector<16xi1>
      %get3A_907 = arith.index_cast %select_n3A_813 : i32 to index
      %get3A_908 = arith.constant 80 : index
      %get3A_909 = tpu.vector_load %arg4[%get3A_907, %get3A_908] {strides = array<i32>} : memref<26x128xi32, #tpu.memory_space<vmem>>, vector<16xi32>,
      %sub3A_910 = vector.broadcast %mul3A_831 : i32 to vector<16xi32>
      %sub3A_911 = arith.subi %get3A_909, %sub3A_910 : vector<16xi32>
      %ge3A_912 = arith.constant 0 : i32
      %ge3A_913 = vector.broadcast %ge3A_912 : i32 to vector<16xi32>
      %ge3A_914 = arith.cmpi sge, %sub3A_911, %ge3A_913 : vector<16xi32>
      %lt3A_915 = arith.constant 200 : i32
      %lt3A_916 = vector.broadcast %lt3A_915 : i32 to vector<16xi32>
      %lt3A_917 = arith.cmpi slt, %sub3A_911, %lt3A_916 : vector<16xi32>
      %and3A_918 = arith.andi %ge3A_914, %lt3A_917 : vector<16xi1>
      %add3A_919 = arith.constant 80 : i32
      %add3A_920 = vector.broadcast %add3A_919 : i32 to vector<16xi32>
      %add3A_921 = arith.addi %add3A_920, %iota3A : vector<16xi32>
      tpu.vector_store_idx %arg6[%sub3A_911, %add3A_921], %broadcast_in_dim3A_3 masked %and3A_918 : memref<200x128xf32, #tpu.memory_space<vmem>>[vector<16xi32>, vector<16xi32>], vector<16xf32>, vector<16xi1>
      %get3A_922 = arith.index_cast %select_n3A_813 : i32 to index
      %get3A_923 = arith.constant 96 : index
      %get3A_924 = tpu.vector_load %arg4[%get3A_922, %get3A_923] {strides = array<i32>} : memref<26x128xi32, #tpu.memory_space<vmem>>, vector<16xi32>,
      %sub3A_925 = vector.broadcast %mul3A_831 : i32 to vector<16xi32>
      %sub3A_926 = arith.subi %get3A_924, %sub3A_925 : vector<16xi32>
      %ge3A_927 = arith.constant 0 : i32
      %ge3A_928 = vector.broadcast %ge3A_927 : i32 to vector<16xi32>
      %ge3A_929 = arith.cmpi sge, %sub3A_926, %ge3A_928 : vector<16xi32>
      %lt3A_930 = arith.constant 200 : i32
      %lt3A_931 = vector.broadcast %lt3A_930 : i32 to vector<16xi32>
      %lt3A_932 = arith.cmpi slt, %sub3A_926, %lt3A_931 : vector<16xi32>
      %and3A_933 = arith.andi %ge3A_929, %lt3A_932 : vector<16xi1>
      %add3A_934 = arith.constant 96 : i32
      %add3A_935 = vector.broadcast %add3A_934 : i32 to vector<16xi32>
      %add3A_936 = arith.addi %add3A_935, %iota3A : vector<16xi32>
      tpu.vector_store_idx %arg6[%sub3A_926, %add3A_936], %broadcast_in_dim3A_3 masked %and3A_933 : memref<200x128xf32, #tpu.memory_space<vmem>>[vector<16xi32>, vector<16xi32>], vector<16xf32>, vector<16xi1>
      %get3A_937 = arith.index_cast %select_n3A_813 : i32 to index
      %get3A_938 = arith.constant 112 : index
      %get3A_939 = tpu.vector_load %arg4[%get3A_937, %get3A_938] {strides = array<i32>} : memref<26x128xi32, #tpu.memory_space<vmem>>, vector<16xi32>,
      %sub3A_940 = vector.broadcast %mul3A_831 : i32 to vector<16xi32>
      %sub3A_941 = arith.subi %get3A_939, %sub3A_940 : vector<16xi32>
      %ge3A_942 = arith.constant 0 : i32
      %ge3A_943 = vector.broadcast %ge3A_942 : i32 to vector<16xi32>
      %ge3A_944 = arith.cmpi sge, %sub3A_941, %ge3A_943 : vector<16xi32>
      %lt3A_945 = arith.constant 200 : i32
      %lt3A_946 = vector.broadcast %lt3A_945 : i32 to vector<16xi32>
      %lt3A_947 = arith.cmpi slt, %sub3A_941, %lt3A_946 : vector<16xi32>
      %and3A_948 = arith.andi %ge3A_944, %lt3A_947 : vector<16xi1>
      %add3A_949 = arith.constant 112 : i32
      %add3A_950 = vector.broadcast %add3A_949 : i32 to vector<16xi32>
      %add3A_951 = arith.addi %add3A_950, %iota3A : vector<16xi32>
      tpu.vector_store_idx %arg6[%sub3A_941, %add3A_951], %broadcast_in_dim3A_3 masked %and3A_948 : memref<200x128xf32, #tpu.memory_space<vmem>>[vector<16xi32>, vector<16xi32>], vector<16xf32>, vector<16xi1>
      %jit3A_952 = arith.constant 5 : i32
      %div3A_953 = arith.divsi %add3A_739, %jit3A_952 : i32
      %sign3A_954 = arith.constant 0 : i32
      %sign3A_955 = arith.cmpi sgt, %add3A_739, %sign3A_954 : i32
      %sign3A_956 = arith.extui %sign3A_955 : i1 to i32
      %sign3A_957 = arith.constant 0 : i32
      %sign3A_958 = arith.cmpi slt, %add3A_739, %sign3A_957 : i32
      %sign3A_959 = arith.extui %sign3A_958 : i1 to i32
      %sign3A_960 = arith.subi %sign3A_956, %sign3A_959 : i32
      %sign3A_961 = arith.constant 0 : i32
      %sign3A_962 = arith.cmpi sgt, %jit3A_952, %sign3A_961 : i32
      %sign3A_963 = arith.extui %sign3A_962 : i1 to i32
      %sign3A_964 = arith.constant 0 : i32
      %sign3A_965 = arith.cmpi slt, %jit3A_952, %sign3A_964 : i32
      %sign3A_966 = arith.extui %sign3A_965 : i1 to i32
      %sign3A_967 = arith.subi %sign3A_963, %sign3A_966 : i32
      %ne3A_968 = arith.cmpi ne, %sign3A_960, %sign3A_967 : i32
      %rem3A_969 = arith.remsi %add3A_739, %jit3A_952 : i32
      %ne3A_970 = arith.constant 0 : i32
      %ne3A_971 = arith.cmpi ne, %rem3A_969, %ne3A_970 : i32
      %and3A_972 = arith.andi %ne3A_968, %ne3A_971 : i1
      %sub3A_973 = arith.constant 1 : i32
      %sub3A_974 = arith.subi %div3A_953, %sub3A_973 : i32
      %select_n3A_975 = arith.select %and3A_972, %sub3A_974, %div3A_953 : i32
      %jit3A_976 = arith.constant 5 : i32
      %eq3A_977 = arith.constant 0 : i32
      %eq3A_978 = arith.cmpi eq, %jit3A_976, %eq3A_977 : i32
      %jit3A_979 = arith.constant 1 : i32
      %select_n3A_980 = arith.select %eq3A_978, %jit3A_979, %jit3A_976 : i32
      %rem3A_981 = arith.remsi %add3A_739, %select_n3A_980 : i32
      %ne3A_982 = arith.constant 0 : i32
      %ne3A_983 = arith.cmpi ne, %rem3A_981, %ne3A_982 : i32
      %lt3A_984 = arith.constant 0 : i32
      %lt3A_985 = arith.cmpi slt, %rem3A_981, %lt3A_984 : i32
      %lt3A_986 = arith.constant 0 : i32
      %lt3A_987 = arith.cmpi slt, %select_n3A_980, %lt3A_986 : i32
      %ne3A_988 = arith.xori %lt3A_985, %lt3A_987 : i1
      %and3A_989 = arith.andi %ne3A_988, %ne3A_983 : i1
      %add3A_990 = arith.addi %rem3A_981, %select_n3A_980 : i32
      %select_n3A_991 = arith.select %and3A_989, %add3A_990, %rem3A_981 : i32
      %mul3A_992 = arith.constant 200 : i32
      %mul3A_993 = arith.muli %select_n3A_991, %mul3A_992 : i32
      %get3A_994 = arith.index_cast %select_n3A_975 : i32 to index
      %get3A_995 = arith.constant 0 : index
      %get3A_996 = tpu.vector_load %arg4[%get3A_994, %get3A_995] {strides = array<i32>} : memref<26x128xi32, #tpu.memory_space<vmem>>, vector<16xi32>,
      %sub3A_997 = vector.broadcast %mul3A_993 : i32 to vector<16xi32>
      %sub3A_998 = arith.subi %get3A_996, %sub3A_997 : vector<16xi32>
      %ge3A_999 = arith.constant 0 : i32
      %ge3A_1000 = vector.broadcast %ge3A_999 : i32 to vector<16xi32>
      %ge3A_1001 = arith.cmpi sge, %sub3A_998, %ge3A_1000 : vector<16xi32>
      %lt3A_1002 = arith.constant 200 : i32
      %lt3A_1003 = vector.broadcast %lt3A_1002 : i32 to vector<16xi32>
      %lt3A_1004 = arith.cmpi slt, %sub3A_998, %lt3A_1003 : vector<16xi32>
      %and3A_1005 = arith.andi %ge3A_1001, %lt3A_1004 : vector<16xi1>
      %add3A_1006 = arith.constant 0 : i32
      %add3A_1007 = vector.broadcast %add3A_1006 : i32 to vector<16xi32>
      %add3A_1008 = arith.addi %add3A_1007, %iota3A : vector<16xi32>
      tpu.vector_store_idx %arg6[%sub3A_998, %add3A_1008], %broadcast_in_dim3A_5 masked %and3A_1005 : memref<200x128xf32, #tpu.memory_space<vmem>>[vector<16xi32>, vector<16xi32>], vector<16xf32>, vector<16xi1>
      %get3A_1009 = arith.index_cast %select_n3A_975 : i32 to index
      %get3A_1010 = arith.constant 16 : index
      %get3A_1011 = tpu.vector_load %arg4[%get3A_1009, %get3A_1010] {strides = array<i32>} : memref<26x128xi32, #tpu.memory_space<vmem>>, vector<16xi32>,
      %sub3A_1012 = vector.broadcast %mul3A_993 : i32 to vector<16xi32>
      %sub3A_1013 = arith.subi %get3A_1011, %sub3A_1012 : vector<16xi32>
      %ge3A_1014 = arith.constant 0 : i32
      %ge3A_1015 = vector.broadcast %ge3A_1014 : i32 to vector<16xi32>
      %ge3A_1016 = arith.cmpi sge, %sub3A_1013, %ge3A_1015 : vector<16xi32>
      %lt3A_1017 = arith.constant 200 : i32
      %lt3A_1018 = vector.broadcast %lt3A_1017 : i32 to vector<16xi32>
      %lt3A_1019 = arith.cmpi slt, %sub3A_1013, %lt3A_1018 : vector<16xi32>
      %and3A_1020 = arith.andi %ge3A_1016, %lt3A_1019 : vector<16xi1>
      %add3A_1021 = arith.constant 16 : i32
      %add3A_1022 = vector.broadcast %add3A_1021 : i32 to vector<16xi32>
      %add3A_1023 = arith.addi %add3A_1022, %iota3A : vector<16xi32>
      tpu.vector_store_idx %arg6[%sub3A_1013, %add3A_1023], %broadcast_in_dim3A_5 masked %and3A_1020 : memref<200x128xf32, #tpu.memory_space<vmem>>[vector<16xi32>, vector<16xi32>], vector<16xf32>, vector<16xi1>
      %get3A_1024 = arith.index_cast %select_n3A_975 : i32 to index
      %get3A_1025 = arith.constant 32 : index
      %get3A_1026 = tpu.vector_load %arg4[%get3A_1024, %get3A_1025] {strides = array<i32>} : memref<26x128xi32, #tpu.memory_space<vmem>>, vector<16xi32>,
      %sub3A_1027 = vector.broadcast %mul3A_993 : i32 to vector<16xi32>
      %sub3A_1028 = arith.subi %get3A_1026, %sub3A_1027 : vector<16xi32>
      %ge3A_1029 = arith.constant 0 : i32
      %ge3A_1030 = vector.broadcast %ge3A_1029 : i32 to vector<16xi32>
      %ge3A_1031 = arith.cmpi sge, %sub3A_1028, %ge3A_1030 : vector<16xi32>
      %lt3A_1032 = arith.constant 200 : i32
      %lt3A_1033 = vector.broadcast %lt3A_1032 : i32 to vector<16xi32>
      %lt3A_1034 = arith.cmpi slt, %sub3A_1028, %lt3A_1033 : vector<16xi32>
      %and3A_1035 = arith.andi %ge3A_1031, %lt3A_1034 : vector<16xi1>
      %add3A_1036 = arith.constant 32 : i32
      %add3A_1037 = vector.broadcast %add3A_1036 : i32 to vector<16xi32>
      %add3A_1038 = arith.addi %add3A_1037, %iota3A : vector<16xi32>
      tpu.vector_store_idx %arg6[%sub3A_1028, %add3A_1038], %broadcast_in_dim3A_5 masked %and3A_1035 : memref<200x128xf32, #tpu.memory_space<vmem>>[vector<16xi32>, vector<16xi32>], vector<16xf32>, vector<16xi1>
      %get3A_1039 = arith.index_cast %select_n3A_975 : i32 to index
      %get3A_1040 = arith.constant 48 : index
      %get3A_1041 = tpu.vector_load %arg4[%get3A_1039, %get3A_1040] {strides = array<i32>} : memref<26x128xi32, #tpu.memory_space<vmem>>, vector<16xi32>,
      %sub3A_1042 = vector.broadcast %mul3A_993 : i32 to vector<16xi32>
      %sub3A_1043 = arith.subi %get3A_1041, %sub3A_1042 : vector<16xi32>
      %ge3A_1044 = arith.constant 0 : i32
      %ge3A_1045 = vector.broadcast %ge3A_1044 : i32 to vector<16xi32>
      %ge3A_1046 = arith.cmpi sge, %sub3A_1043, %ge3A_1045 : vector<16xi32>
      %lt3A_1047 = arith.constant 200 : i32
      %lt3A_1048 = vector.broadcast %lt3A_1047 : i32 to vector<16xi32>
      %lt3A_1049 = arith.cmpi slt, %sub3A_1043, %lt3A_1048 : vector<16xi32>
      %and3A_1050 = arith.andi %ge3A_1046, %lt3A_1049 : vector<16xi1>
      %add3A_1051 = arith.constant 48 : i32
      %add3A_1052 = vector.broadcast %add3A_1051 : i32 to vector<16xi32>
      %add3A_1053 = arith.addi %add3A_1052, %iota3A : vector<16xi32>
      tpu.vector_store_idx %arg6[%sub3A_1043, %add3A_1053], %broadcast_in_dim3A_5 masked %and3A_1050 : memref<200x128xf32, #tpu.memory_space<vmem>>[vector<16xi32>, vector<16xi32>], vector<16xf32>, vector<16xi1>
      %get3A_1054 = arith.index_cast %select_n3A_975 : i32 to index
      %get3A_1055 = arith.constant 64 : index
      %get3A_1056 = tpu.vector_load %arg4[%get3A_1054, %get3A_1055] {strides = array<i32>} : memref<26x128xi32, #tpu.memory_space<vmem>>, vector<16xi32>,
      %sub3A_1057 = vector.broadcast %mul3A_993 : i32 to vector<16xi32>
      %sub3A_1058 = arith.subi %get3A_1056, %sub3A_1057 : vector<16xi32>
      %ge3A_1059 = arith.constant 0 : i32
      %ge3A_1060 = vector.broadcast %ge3A_1059 : i32 to vector<16xi32>
      %ge3A_1061 = arith.cmpi sge, %sub3A_1058, %ge3A_1060 : vector<16xi32>
      %lt3A_1062 = arith.constant 200 : i32
      %lt3A_1063 = vector.broadcast %lt3A_1062 : i32 to vector<16xi32>
      %lt3A_1064 = arith.cmpi slt, %sub3A_1058, %lt3A_1063 : vector<16xi32>
      %and3A_1065 = arith.andi %ge3A_1061, %lt3A_1064 : vector<16xi1>
      %add3A_1066 = arith.constant 64 : i32
      %add3A_1067 = vector.broadcast %add3A_1066 : i32 to vector<16xi32>
      %add3A_1068 = arith.addi %add3A_1067, %iota3A : vector<16xi32>
      tpu.vector_store_idx %arg6[%sub3A_1058, %add3A_1068], %broadcast_in_dim3A_5 masked %and3A_1065 : memref<200x128xf32, #tpu.memory_space<vmem>>[vector<16xi32>, vector<16xi32>], vector<16xf32>, vector<16xi1>
      %get3A_1069 = arith.index_cast %select_n3A_975 : i32 to index
      %get3A_1070 = arith.constant 80 : index
      %get3A_1071 = tpu.vector_load %arg4[%get3A_1069, %get3A_1070] {strides = array<i32>} : memref<26x128xi32, #tpu.memory_space<vmem>>, vector<16xi32>,
      %sub3A_1072 = vector.broadcast %mul3A_993 : i32 to vector<16xi32>
      %sub3A_1073 = arith.subi %get3A_1071, %sub3A_1072 : vector<16xi32>
      %ge3A_1074 = arith.constant 0 : i32
      %ge3A_1075 = vector.broadcast %ge3A_1074 : i32 to vector<16xi32>
      %ge3A_1076 = arith.cmpi sge, %sub3A_1073, %ge3A_1075 : vector<16xi32>
      %lt3A_1077 = arith.constant 200 : i32
      %lt3A_1078 = vector.broadcast %lt3A_1077 : i32 to vector<16xi32>
      %lt3A_1079 = arith.cmpi slt, %sub3A_1073, %lt3A_1078 : vector<16xi32>
      %and3A_1080 = arith.andi %ge3A_1076, %lt3A_1079 : vector<16xi1>
      %add3A_1081 = arith.constant 80 : i32
      %add3A_1082 = vector.broadcast %add3A_1081 : i32 to vector<16xi32>
      %add3A_1083 = arith.addi %add3A_1082, %iota3A : vector<16xi32>
      tpu.vector_store_idx %arg6[%sub3A_1073, %add3A_1083], %broadcast_in_dim3A_5 masked %and3A_1080 : memref<200x128xf32, #tpu.memory_space<vmem>>[vector<16xi32>, vector<16xi32>], vector<16xf32>, vector<16xi1>
      %get3A_1084 = arith.index_cast %select_n3A_975 : i32 to index
      %get3A_1085 = arith.constant 96 : index
      %get3A_1086 = tpu.vector_load %arg4[%get3A_1084, %get3A_1085] {strides = array<i32>} : memref<26x128xi32, #tpu.memory_space<vmem>>, vector<16xi32>,
      %sub3A_1087 = vector.broadcast %mul3A_993 : i32 to vector<16xi32>
      %sub3A_1088 = arith.subi %get3A_1086, %sub3A_1087 : vector<16xi32>
      %ge3A_1089 = arith.constant 0 : i32
      %ge3A_1090 = vector.broadcast %ge3A_1089 : i32 to vector<16xi32>
      %ge3A_1091 = arith.cmpi sge, %sub3A_1088, %ge3A_1090 : vector<16xi32>
      %lt3A_1092 = arith.constant 200 : i32
      %lt3A_1093 = vector.broadcast %lt3A_1092 : i32 to vector<16xi32>
      %lt3A_1094 = arith.cmpi slt, %sub3A_1088, %lt3A_1093 : vector<16xi32>
      %and3A_1095 = arith.andi %ge3A_1091, %lt3A_1094 : vector<16xi1>
      %add3A_1096 = arith.constant 96 : i32
      %add3A_1097 = vector.broadcast %add3A_1096 : i32 to vector<16xi32>
      %add3A_1098 = arith.addi %add3A_1097, %iota3A : vector<16xi32>
      tpu.vector_store_idx %arg6[%sub3A_1088, %add3A_1098], %broadcast_in_dim3A_5 masked %and3A_1095 : memref<200x128xf32, #tpu.memory_space<vmem>>[vector<16xi32>, vector<16xi32>], vector<16xf32>, vector<16xi1>
      %get3A_1099 = arith.index_cast %select_n3A_975 : i32 to index
      %get3A_1100 = arith.constant 112 : index
      %get3A_1101 = tpu.vector_load %arg4[%get3A_1099, %get3A_1100] {strides = array<i32>} : memref<26x128xi32, #tpu.memory_space<vmem>>, vector<16xi32>,
      %sub3A_1102 = vector.broadcast %mul3A_993 : i32 to vector<16xi32>
      %sub3A_1103 = arith.subi %get3A_1101, %sub3A_1102 : vector<16xi32>
      %ge3A_1104 = arith.constant 0 : i32
      %ge3A_1105 = vector.broadcast %ge3A_1104 : i32 to vector<16xi32>
      %ge3A_1106 = arith.cmpi sge, %sub3A_1103, %ge3A_1105 : vector<16xi32>
      %lt3A_1107 = arith.constant 200 : i32
      %lt3A_1108 = vector.broadcast %lt3A_1107 : i32 to vector<16xi32>
      %lt3A_1109 = arith.cmpi slt, %sub3A_1103, %lt3A_1108 : vector<16xi32>
      %and3A_1110 = arith.andi %ge3A_1106, %lt3A_1109 : vector<16xi1>
      %add3A_1111 = arith.constant 112 : i32
      %add3A_1112 = vector.broadcast %add3A_1111 : i32 to vector<16xi32>
      %add3A_1113 = arith.addi %add3A_1112, %iota3A : vector<16xi32>
      tpu.vector_store_idx %arg6[%sub3A_1103, %add3A_1113], %broadcast_in_dim3A_5 masked %and3A_1110 : memref<200x128xf32, #tpu.memory_space<vmem>>[vector<16xi32>, vector<16xi32>], vector<16xf32>, vector<16xi1>
      %jit3A_1114 = arith.constant 5 : i32
      %div3A_1115 = arith.divsi %add3A_739, %jit3A_1114 : i32
      %sign3A_1116 = arith.constant 0 : i32
      %sign3A_1117 = arith.cmpi sgt, %add3A_739, %sign3A_1116 : i32
      %sign3A_1118 = arith.extui %sign3A_1117 : i1 to i32
      %sign3A_1119 = arith.constant 0 : i32
      %sign3A_1120 = arith.cmpi slt, %add3A_739, %sign3A_1119 : i32
      %sign3A_1121 = arith.extui %sign3A_1120 : i1 to i32
      %sign3A_1122 = arith.subi %sign3A_1118, %sign3A_1121 : i32
      %sign3A_1123 = arith.constant 0 : i32
      %sign3A_1124 = arith.cmpi sgt, %jit3A_1114, %sign3A_1123 : i32
      %sign3A_1125 = arith.extui %sign3A_1124 : i1 to i32
      %sign3A_1126 = arith.constant 0 : i32
      %sign3A_1127 = arith.cmpi slt, %jit3A_1114, %sign3A_1126 : i32
      %sign3A_1128 = arith.extui %sign3A_1127 : i1 to i32
      %sign3A_1129 = arith.subi %sign3A_1125, %sign3A_1128 : i32
      %ne3A_1130 = arith.cmpi ne, %sign3A_1122, %sign3A_1129 : i32
      %rem3A_1131 = arith.remsi %add3A_739, %jit3A_1114 : i32
      %ne3A_1132 = arith.constant 0 : i32
      %ne3A_1133 = arith.cmpi ne, %rem3A_1131, %ne3A_1132 : i32
      %and3A_1134 = arith.andi %ne3A_1130, %ne3A_1133 : i1
      %sub3A_1135 = arith.constant 1 : i32
      %sub3A_1136 = arith.subi %div3A_1115, %sub3A_1135 : i32
      %select_n3A_1137 = arith.select %and3A_1134, %sub3A_1136, %div3A_1115 : i32
      %jit3A_1138 = arith.constant 5 : i32
      %eq3A_1139 = arith.constant 0 : i32
      %eq3A_1140 = arith.cmpi eq, %jit3A_1138, %eq3A_1139 : i32
      %jit3A_1141 = arith.constant 1 : i32
      %select_n3A_1142 = arith.select %eq3A_1140, %jit3A_1141, %jit3A_1138 : i32
      %rem3A_1143 = arith.remsi %add3A_739, %select_n3A_1142 : i32
      %ne3A_1144 = arith.constant 0 : i32
      %ne3A_1145 = arith.cmpi ne, %rem3A_1143, %ne3A_1144 : i32
      %lt3A_1146 = arith.constant 0 : i32
      %lt3A_1147 = arith.cmpi slt, %rem3A_1143, %lt3A_1146 : i32
      %lt3A_1148 = arith.constant 0 : i32
      %lt3A_1149 = arith.cmpi slt, %select_n3A_1142, %lt3A_1148 : i32
      %ne3A_1150 = arith.xori %lt3A_1147, %lt3A_1149 : i1
      %and3A_1151 = arith.andi %ne3A_1150, %ne3A_1145 : i1
      %add3A_1152 = arith.addi %rem3A_1143, %select_n3A_1142 : i32
      %select_n3A_1153 = arith.select %and3A_1151, %add3A_1152, %rem3A_1143 : i32
      %mul3A_1154 = arith.constant 200 : i32
      %mul3A_1155 = arith.muli %select_n3A_1153, %mul3A_1154 : i32
      %dma_start3A_1156 = tpu.memref_slice %arg3[%select_n3A_1137, %mul3A_1155, %mul3A_2] : memref<26x1000x4096xf32, #tpu.memory_space<hbm>> -> memref<1x200x128xf32, #tpu.memory_space<hbm>>
      %dma_start3A_1157 = tpu.memref_squeeze %dma_start3A_1156 : memref<1x200x128xf32, #tpu.memory_space<hbm>> -> memref<200x128xf32, #tpu.memory_space<hbm>>
      %dma_start3A_1158 = tpu.memref_slice %arg3[%select_n3A_1137, %mul3A_1155, %mul3A_2] : memref<26x1000x4096xf32, #tpu.memory_space<hbm>> -> memref<1x200x128xf32, #tpu.memory_space<hbm>>
      %dma_start3A_1159 = tpu.memref_squeeze %dma_start3A_1158 : memref<1x200x128xf32, #tpu.memory_space<hbm>> -> memref<200x128xf32, #tpu.memory_space<hbm>>
      tpu.enqueue_dma source(%arg6 : memref<200x128xf32, #tpu.memory_space<vmem>>) target(%dma_start3A_1159 : memref<200x128xf32, #tpu.memory_space<hbm>>) target_semaphore(%arg8 : memref<!tpu.dma_semaphore, #tpu.memory_space<semaphore_mem>>)
      %scan3A_1160 = arith.constant 0 : i32
      scf.yield %scan3A_1160 : i32
    }
    %scan3A_305 = arith.constant 64 : i32
    %dma_wait3A = arith.constant 25 : i32
    %dma_wait3A_306 = arith.constant 600 : i32
    %dma_wait3A_307 = tpu.memref_slice %arg3[%dma_wait3A, %dma_wait3A_306, %mul3A_2] : memref<26x1000x4096xf32, #tpu.memory_space<hbm>> -> memref<1x200x128xf32, #tpu.memory_space<hbm>>
    %dma_wait3A_308 = tpu.memref_squeeze %dma_wait3A_307 : memref<1x200x128xf32, #tpu.memory_space<hbm>> -> memref<200x128xf32, #tpu.memory_space<hbm>>
    %dma_wait3A_309 = arith.constant 600 : i32
    %dma_wait3A_310 = tpu.memref_slice %arg3[%dma_wait3A, %dma_wait3A_309, %mul3A_2] : memref<26x1000x4096xf32, #tpu.memory_space<hbm>> -> memref<1x200x128xf32, #tpu.memory_space<hbm>>
    %dma_wait3A_311 = tpu.memref_squeeze %dma_wait3A_310 : memref<1x200x128xf32, #tpu.memory_space<hbm>> -> memref<200x128xf32, #tpu.memory_space<hbm>>
    tpu.wait_dma2 semaphore(%arg7 : memref<!tpu.dma_semaphore, #tpu.memory_space<semaphore_mem>>) src(%arg5 : memref<200x128xf32, #tpu.memory_space<vmem>>) dst(%dma_wait3A_311 : memref<200x128xf32, #tpu.memory_space<hbm>>)
    %dma_wait3A_312 = arith.constant 25 : i32
    %dma_wait3A_313 = arith.constant 800 : i32
    %dma_wait3A_314 = tpu.memref_slice %arg3[%dma_wait3A_312, %dma_wait3A_313, %mul3A_2] : memref<26x1000x4096xf32, #tpu.memory_space<hbm>> -> memref<1x200x128xf32, #tpu.memory_space<hbm>>
    %dma_wait3A_315 = tpu.memref_squeeze %dma_wait3A_314 : memref<1x200x128xf32, #tpu.memory_space<hbm>> -> memref<200x128xf32, #tpu.memory_space<hbm>>
    %dma_wait3A_316 = arith.constant 800 : i32
    %dma_wait3A_317 = tpu.memref_slice %arg3[%dma_wait3A_312, %dma_wait3A_316, %mul3A_2] : memref<26x1000x4096xf32, #tpu.memory_space<hbm>> -> memref<1x200x128xf32, #tpu.memory_space<hbm>>
    %dma_wait3A_318 = tpu.memref_squeeze %dma_wait3A_317 : memref<1x200x128xf32, #tpu.memory_space<hbm>> -> memref<200x128xf32, #tpu.memory_space<hbm>>
    tpu.wait_dma2 semaphore(%arg8 : memref<!tpu.dma_semaphore, #tpu.memory_space<semaphore_mem>>) src(%arg6 : memref<200x128xf32, #tpu.memory_space<vmem>>) dst(%dma_wait3A_318 : memref<200x128xf32, #tpu.memory_space<hbm>>)
    return
  }
}

</mosaic_0001>

<sc_bundles>
// kernel: kernel.3.cloned.1.call-start
scs
__scs_entry_jumppad:
0x0: {  	(pc) =	sbr.rel $0x88, $3  }
0x1: {  	(tag) =	ssettag $0x0;
	lr =	simm.s32 $0x1  }
0x2: {  	[smem:$0x3FA0] =	sst lr;
	_ =	strace $0xD0000000  }
0x3: {  	_ = 	snop  }
0x4: {  	_ = 	snop  }
0x5: {  	_ = 	snop  }
0x6: {  	_ = 	snop  }
0x7: {  	_ = 	snop  }
__scs_overlays_trampoline_lowered:
0x8: {  	[smem:$0x3FAF] =	sst s0  }
0x9: {  	[smem:$0x3FB0] =	sst s1  }
0xa: {  	[smem:$0x3FB1] =	sst s2  }
0xb: {  	[smem:$0x3FB2] =	sst s3  }
0xc: {  	[smem:$0x3FB3] =	sst s4  }
0xd: {  	[smem:$0x3FB4] =	sst s5  }
0xe: {  	[smem:$0x3FB5] =	sst s6  }
0xf: {  	[smem:$0x3FB6] =	sst s7  }
0x10: {  	[smem:$0x3FB7] =	sst s8  }
0x11: {  	[smem:$0x3FB8] =	sst s9;
	s0 =	simm.s32 @!p0 $0x0  }
0x12: {  	s1 =	sld [smem:$0x3F9E];
	s0 =	simm.s32 @p0 $0x1  }
0x13: {  	[smem:$0x3FB9] =	sst s0;
	s0 =	simm.s32 @!p1 $0x0  }
0x14: {  	s2 =	sld [smem:$0x3F9D];
	s0 =	simm.s32 @p1 $0x1  }
0x15: {  	[smem:$0x3FBA] =	sst s0;
	s0 =	simm.s32 @!p2 $0x0  }
0x16: {  	s3 =	sld [smem:$0x3FDB];
	s0 =	simm.s32 @p2 $0x1  }
0x17: {  	s4 =	simm.s32 $0x1BF5;
	[smem:$0x3FBC] =	sst s0  }
0x18: {  	s0 =	sld [smem:$0x3F9F];
	_ =	swait.ge [sflag:s4], $0x0  }
0x19: {  	s7 =	sld [smem:$0x3FA0]  }
0x1a: {  	s8 =	sadd.s32 $0xFFFFE003, lr  }
0x1b: {  	s9 =	sadd.s32 $0xFFFFFEF7, lr;
	s5 =	simm.s32 $0xFFFFFFFF;
	p2 =	slt.u32 s8, $0xFFFFF086  }
0x1c: {  	p1 =	slt.u32 s9, $0xF7A;
	s5 =	simm.s32 @!p2 $0x0  }
0x1d: {  	s5 =	simm.s32 @p1 $0x1;
	p0 =	seq.s32 s7, s2  }
0x1e: {  	s7 =	smul.u32 @!p0 $0xF7A, s2;
	p2 =	seq.s32 @!p0 s5, $0x0  }
0x1f: {  	s9 =	smul.u32 $0xF7A, s1;
	s8 =	simm.s32 @!p0 $0x1BF5;
	p2 =	por !p2, p0  }
0x20: {  	[sflag:s8] =	ssyncset.s32 @!p0 $0xFFFFF086;
	s6 =	sadd.s32 @!p0 s3, s7;
	s7 =	simm.s32 @!p0 $0x108  }
0x21: {  	s3 =	sadd.s32 s3, s9;
	s6 =	sadd.s32 @!p0 $0x88, s6;
	s7 =	simm.s32 @p2 $0x1082  }
0x22: {  	[simem:s7], [sflag:s8] =	dma.local @!p0 [hbm:s6], $0xF7A  }
0x23: {  	s9 =	sor.u32 $0xD0000000, s2;
	s6 =	simm.s32 $0x108;
	_ =	swait.ge @!p0 [sflag:s8], $0x0  }
0x24: {  	s3 =	sadd.s32 $0x88, s3;
	s6 =	simm.s32 @!p1 $0x1082;
	[sflag:s4] =	ssyncset.s32 $0xFFFFF086  }
0x25: {  	[simem:s6], [sflag:s4] =	dma.local [hbm:s3], $0xF7A  }
0x26: {  	[smem:$0x3FA0] =	sst s1;
	(tag) =	ssettag s2;
	_ =	strace s9  }
0x27: {  	s1 =	sld [smem:$0x3FB0]  }
0x28: {  	s2 =	sld [smem:$0x3FB1]  }
0x29: {  	s4 =	sld [smem:$0x3FB3]  }
0x2a: {  	p0 =	seq.s32 s5, $0x0;
	s5 =	sld [smem:$0x3FB4]  }
0x2b: {  	s6 =	sld [smem:$0x3FB5]  }
0x2c: {  	s7 =	sld [smem:$0x3FB6]  }
0x2d: {  	s3 =	simm.s32 $0x108;
	s8 =	sld [smem:$0x3FB7]  }
0x2e: {  	s3 =	simm.s32 @!p0 $0x1082;
	s9 =	sld [smem:$0x3FB8]  }
0x2f: {  	lr =	sadd.s32 s0, s3;
	s0 =	sld [smem:$0x3FAF]  }
0x30: {  	s3 =	sld [smem:$0x3FB2]  }
0x31: {  	[smem:$0x3FBB] =	sst s10  }
0x32: {  	s10 =	sld [smem:$0x3FB9];
	_ =	sdelay $0x3  }
0x33: {  	p0 =	seq.s32 s10, $0x1;
	s10 =	sld [smem:$0x3FBB];
	_ =	sdelay $0x3  }
0x34: {  	[smem:$0x3FBB] =	sst s10  }
0x35: {  	s10 =	sld [smem:$0x3FBA];
	_ =	sdelay $0x3  }
0x36: {  	p1 =	seq.s32 s10, $0x1;
	s10 =	sld [smem:$0x3FBB];
	_ =	sdelay $0x3  }
0x37: {  	[smem:$0x3FBB] =	sst s10  }
0x38: {  	s10 =	sld [smem:$0x3FBC]  }
0x39: {  	_ = 	snop;
	(pc) =	sbr.ind lr, $3  }
0x3a: {  	_ = 	snop  }
0x3b: {  	_ = 	snop  }
0x3c: {  	p2 =	seq.s32 s10, $0x1;
	s10 =	sld [smem:$0x3FBB]  }
0x3d: {  	_ =	shalt  }
0x3e: {  	_ =	shalt  }
0x3f: {  	_ =	shalt  }
0x40: {  	_ =	shalt  }
0x41: {  	_ =	shalt  }
0x42: {  	_ =	shalt  }
0x43: {  	_ =	shalt  }
0x44: {  	_ =	shalt  }
0x45: {  	_ =	shalt  }
0x46: {  	_ =	shalt  }
0x47: {  	_ =	shalt  }
0x48: {  	_ =	shalt  }
0x49: {  	_ =	shalt  }
0x4a: {  	_ =	shalt  }
0x4b: {  	_ =	shalt  }
0x4c: {  	_ =	shalt  }
0x4d: {  	_ =	shalt  }
0x4e: {  	_ =	shalt  }
0x4f: {  	_ =	shalt  }
0x50: {  	_ =	shalt  }
0x51: {  	_ =	shalt  }
0x52: {  	_ =	shalt  }
0x53: {  	_ =	shalt  }
0x54: {  	_ =	shalt  }
0x55: {  	_ =	shalt  }
0x56: {  	_ =	shalt  }
0x57: {  	_ =	shalt  }
0x58: {  	_ =	shalt  }
0x59: {  	_ =	shalt  }
0x5a: {  	_ =	shalt  }
0x5b: {  	_ =	shalt  }
0x5c: {  	_ =	shalt  }
0x5d: {  	_ =	shalt  }
0x5e: {  	_ =	shalt  }
0x5f: {  	_ =	shalt  }
0x60: {  	_ =	shalt  }
0x61: {  	_ =	shalt  }
0x62: {  	_ =	shalt  }
0x63: {  	_ =	shalt  }
0x64: {  	_ =	shalt  }
0x65: {  	_ =	shalt  }
0x66: {  	_ =	shalt  }
0x67: {  	_ =	shalt  }
0x68: {  	_ =	shalt  }
0x69: {  	_ =	shalt  }
0x6a: {  	_ =	shalt  }
0x6b: {  	_ =	shalt  }
0x6c: {  	_ =	shalt  }
0x6d: {  	_ =	shalt  }
0x6e: {  	_ =	shalt  }
0x6f: {  	_ =	shalt  }
0x70: {  	_ =	shalt  }
0x71: {  	_ =	shalt  }
0x72: {  	_ =	shalt  }
0x73: {  	_ =	shalt  }
0x74: {  	_ =	shalt  }
0x75: {  	_ =	shalt  }
0x76: {  	_ =	shalt  }
0x77: {  	_ =	shalt  }
0x78: {  	_ =	shalt  }
0x79: {  	_ =	shalt  }
0x7a: {  	_ =	shalt  }
0x7b: {  	_ =	shalt  }
0x7c: {  	_ =	shalt  }
0x7d: {  	_ =	shalt  }
0x7e: {  	_ =	shalt  }
0x7f: {  	_ =	shalt  }
0x80: {  	_ =	shalt  }
0x81: {  	_ =	shalt  }
0x82: {  	_ =	shalt  }
0x83: {  	_ =	shalt  }
0x84: {  	_ =	shalt  }
0x85: {  	_ =	shalt  }
0x86: {  	_ =	shalt  }
0x87: {  	_ =	shalt  }
.Lfunc_end0:
.L_simem_size_0:
called_computation_lowered:
.L_overlay_start_0:
0x88: {  	s2 =	sld [smem:$0x3FD9]  }
0x89: {  	s3 =	sld [smem:$0x3FFE];
	_ =	sdelay $0x1  }
0x8a: {  	s1 =	srdreg.scid  }
0x8b: {  	s0 =	sand.u32 $0x1, s1  }
0x8c: {  	s18 =	sshll.u32 s0, $0xA;
	s2 =	sadd.s32 s3, s2  }
0x8d: {  	s2 =	sadd.s32 s2, s18  }
0x8e: {  	[smem:$0x3FC7] =	sst s2  }
0x8f: {  	_ = 	snop  }
0x90: {  	s2 =	sld [smem:$0x3FC9]  }
0x91: {  	s19 =	sld [smem:$0x3FD0];
	(tm) =	ssettm $0x1  }
0x92: {  	s4 =	sld [smem:$0x3FFB];
	_ =	sdelay $0x3  }
0x93: {  	_ =	strace s4  }
0x94: {  	s4 =	sld [smem:$0x3FFC];
	_ =	sdelay $0x3  }
0x95: {  	_ =	strace s4  }
0x96: {  	s4 =	sld [smem:$0x3FFD];
	_ =	sdelay $0x3  }
0x97: {  	_ =	strace s4  }
0x98: {  	_ =	strace $0x8FFFFFFF  }
0x99: {  	s20 =	sld [smem:$0x3FDB];
	_ =	sdelay $0x1  }
0x9a: {  	s5 =	simm.s32 $_scs_section_size  }
0x9b: {  	s6 =	simm.s32 $_size__tile_overlayer_lowered;
	s7 =	simm.s32 $_tile_overlayer_lowered  }
0x9c: {  	s23 =	simm.s32 $0x1BFF;
	s22 =	sshll.u32 s7, $0x1;
	s4 =	sadd.s32 s5, s20  }
0x9d: {  	s8 =	simm.s32 $0x0;
	s21 =	sshll.u32 s6, $0x1;
	s6 =	sadd.s32 s22, s4  }
0x9e: {  	[timem:s8], [sflag:s23] =	dma.local [hbm:s6], s21  }
0x9f: {  	_ =	swait.ge [sflag:s23], s21  }
0xa0: {  	s5 =	ssub.s32 $0x0, s21;
	[sflag:s23] =	ssyncset.done $0x0  }
0xa1: {  	[sflag:s23] =	ssyncadd.s32 s5;
	_ =	sdelay $0x1  }
0xa2: {  	s24 =	simm.s32 $0x1B8B  }
0xa3: {  	_ =	swait.ge [sflag:s24], $0x1  }
0xa4: {  	[sflag:s24] =	ssyncset.done $0x0  }
0xa5: {  	s25 =	simm.s32 $0x1B8E;
	[sflag:s24] =	ssyncadd.s32 $0xFFFFFFFF  }
0xa6: {  	s26 =	simm.s32 $execute0_lowered;
	[smem:$0x3FD2] =	sst s25  }
0xa7: {  	s5 =	sshll.u32 s26, $0x1;
	_ =	strace $0x80000046;
	[dreg:$0x1] =	wrdreg $0xFFFFFFFF  }
0xa8: {  	s28 =	simm.s32 $_size_execute0_lowered;
	s4 =	sadd.s32 s4, s5;
	[dreg:$0x0] =	wrdreg $0x0  }
0xa9: {  	s5 =	sshll.u32 s28, $0x1;
	[dreg:$0x2] =	wrdreg s4  }
0xaa: {  	[dreg:$0x3] =	wrdreg s5  }
0xab: {  	[dreg:$0x4] =	wrdreg $0xC0  }
0xac: {  	_ =	task [dreg:s8], $0x5FFFF  }
0xad: {  	[dreg:$0x1] =	wrdreg $0xFFFFFFFF  }
0xae: {  	[dreg:$0x0] =	wrdreg $0x60  }
0xaf: {  	[dreg:$0x2] =	wrdreg s2  }
0xb0: {  	[dreg:$0x3] =	wrdreg s19  }
0xb1: {  	[dreg:$0x4] =	wrdreg $0x9  }
0xb2: {  	_ =	task.clear_ibuf [dreg:s8], $0x5FFFF;
	_ =	strace $0x90000046  }
0xb3: {  	s29 =	simm.s32 $0x9;
	_ =	strace $0x80000048  }
0xb4: {  	_ =	swait.ge [sflag:s29], $0x1  }
0xb5: {  	[sflag:s29] =	ssyncadd.s32 $0xFFFFFFFF  }
0xb6: {  	_ =	strace $0x90000048  }
0xb7: {  	_ =	sfence  }
0xb8: {  	s30 =	sld [smem:$0x0];
	_ =	sdelay $0x2  }
0xb9: {  	s31 =	sshll.u32 s1, $0xD;
	s1 =	sshrl.u32 s1, $0x2  }
0xba: {  	s3 =	sand.u32 $0x4000, s31;
	s1 =	sadd.s32 s1, s30  }
0xbb: {  	s0 =	sor.u32 s3, s0;
	s1 =	sshll.u32 s1, $0x11  }
0xbc: {  	s0 =	sor.u32 s1, s0  }
0xbd: {  	s0 =	sadd.s32 $0x8F2B, s0  }
0xbe: {  	[sflag:s0] =	ssyncadd.remote.s32 $0x1  }
0xbf: {  	_ =	sfence.sel $0xFFFF  }
0xc0: {  	[dreg:$0x0] =	wrdreg $0xFFFFFFFF;
	(pc) =	sbr.abs _section_cstart, $3  }
0xc1: {  	[dreg:$0x1] =	wrdreg $0xFFFFFFFF  }
0xc2: {  	_ =	task.clear_ibuf [dreg:s8], $0x2FFFF;
	_ =	strace $0x9FFFFFFF  }
0xc3: {  	(tm) =	ssettm $0x7FFFFFFF  }
tec
execute0_lowered:
.L_overlay_start_1:
0x0: {  	(tag) =	ssettag $0x1  }
0x1: {  	s5 =	rddreg [dreg:$0x0]  }
0x2: {  	s2 =	rddreg [dreg:$0x1];
	s3 =	srdreg.scid  }
0x3: {  	s0 =	rddreg [dreg:$0x2];
	s1 =	stileid.u32;
	s10 =	simm.s32 $0x400  }
0x4: {  	s11 =	simm.s32 $0x8000;
	s12 =	simm.s32 $0xC00;
	s13 =	simm.s32 $0x3  }
0x5: {  	s14 =	simm.s32 $0x1000;
	s15 =	simm.s32 $0x7400;
	s16 =	simm.s32 $0x1  }
0x6: {  	v0 =	vimm.f32 $0.0e+00;
	v1 =	vlaneseq.u32;
	v2 =	vimm.f32 $1.000000000e+00;
	s17 =	simm.s32 $0x2;
	s18 =	simm.s32 $0x0;
	s4 =	sand.u32 $0x1, s3  }
0x7: {  	s3 =	simm.s32 $0x0;
	s6 =	sshll.u32 s1, $0xB;
	v3 =	vor.u32 $0x10, v1;
	v4 =	vor.u32 $0x20, v1;
	v5 =	vor.u32 $0x30, v1;
	s7 =	sshll.u32 s4, $0xA  }
0x8: {  	v6 =	vor.u32 $0x40, v1;
	v7 =	vor.u32 $0x50, v1;
	v8 =	vor.u32 $0x60, v1;
	[smem:$0x7FF] =	sst s3;
	s8 =	ssub.s32 $0x2, s4;
	s4 =	sor.u32 s7, s6  }
0x9: {  	v9 =	vor.u32 $0x70, v1;
	v10 =	vor.u32 $0xFFFF9C00, v1;
	v11 =	vor.u32 $0xFFFF9C10, v1;
	_ =	strace $0x80000047;
	s31 =	sshrl.u32 s8, $0x1;
	s7 =	sshrl.u32 s4, $0x3  }
0xa: {  	v12 =	vor.u32 $0xFFFF9C20, v1;
	v13 =	vor.u32 $0xFFFF9C30, v1;
	v14 =	vor.u32 $0xFFFF9C40, v1;
	s9 =	ssub.s32 s8, s31;
	s5 =	sadd.s32 s5, s7;
	s6 =	sadd.s32 s2, s7  }
0xb: {  	v15 =	vor.u32 $0xFFFF9C50, v1;
	v16 =	vor.u32 $0xFFFF9C60, v1;
	v17 =	vor.u32 $0xFFFF9C70, v1;
	s9 =	smax.u32 s9, $0x1;
	s7 =	sadd.s32 $0x3000, s5;
	s8 =	sadd.s32 $0x19000, s6  }
.LBB2_1:
0xc: {  	[tilespmem:s3], [sflag:$0x3] =	stream.strided.gather [hbm4b:s5+s10], $0xC00, s11, s10, $0x38;
	[tilespmem:$0xD800] =	vst v63  }
0xd: {  	_ = 	snop  }
0xe: {  	[tilespmem:s12], [sflag:$0x3] =	stream.linear.gather [hbm4b:s7+s3], $0x100, $0x38;
	[tilespmem:$0xD800] =	vst v63  }
0xf: {  	_ =	swait.ge [sflag:s13], $0xD00  }
0x10: {  	[sflag:s13] =	ssyncset.done $0x0  }
0x11: {  	s19 =	simm.s32 $0x0;
	s20 =	simm.s32 $0x200;
	[sflag:s13] =	ssyncadd.s32 $0xFFFFF300  }
.LBB2_2:
0x12: {  	p0 =	sne.s32 s20, $0x18E00;
	[tilespmem:s19+$0x1070] =	vst v0  }
0x13: {  	[tilespmem:s19+$0x1000] =	vst v0  }
0x14: {  	[tilespmem:s19+$0x1010] =	vst v0  }
.Ltmp0:
0x15: {  	[tilespmem:s19+$0x1020] =	vst v0;
	(pc) =	sbr.rel @p0 .LBB2_2-.Ltmp0, $4  }
0x16: {  	[tilespmem:s19+$0x1030] =	vst v0  }
0x17: {  	[tilespmem:s19+$0x1040] =	vst v0  }
0x18: {  	[tilespmem:s19+$0x1050] =	vst v0  }
0x19: {  	[tilespmem:s19+$0x1060] =	vst v0;
	s19 =	sshra.s32 s20, $0x2;
	s20 =	sadd.s32 $0x200, s20  }
0x1a: {  	[tilespmem:s19+$0x1070] =	vst v0  }
0x1b: {  	[tilespmem:s19+$0x1000] =	vst v0  }
0x1c: {  	[tilespmem:s19+$0x1010] =	vst v0  }
0x1d: {  	[tilespmem:s19+$0x1020] =	vst v0  }
0x1e: {  	[tilespmem:s19+$0x1030] =	vst v0  }
0x1f: {  	[tilespmem:s19+$0x1040] =	vst v0  }
0x20: {  	[tilespmem:s19+$0x1050] =	vst v0  }
0x21: {  	[tilespmem:s19+$0x1060] =	vst v0  }
0x22: {  	v18 =	vld [tilespmem:$0x0];
	_ =	sdelay $0x4  }
0x23: {  	vm0 =	vlt.u32 v18, $0xC8;
	v18 =	vshll.u32 v18, $0x7  }
0x24: {  	v18 =	vor.u32 v1, v18;
	_ =	sdelay $0x4  }
0x25: {  	[tilespmem:v18+s14+$0x0] =	vst.idx.msk vm0, v2  }
0x26: {  	v18 =	vld [tilespmem:$0x10];
	_ =	sdelay $0x4  }
0x27: {  	vm9 =	vlt.u32 v18, $0xC8;
	v18 =	vshll.u32 v18, $0x7  }
0x28: {  	v18 =	vor.u32 v3, v18;
	_ =	sdelay $0x4  }
0x29: {  	[tilespmem:v18+s14+$0x0] =	vst.idx.msk vm9, v2  }
0x2a: {  	v18 =	vld [tilespmem:$0x20];
	_ =	sdelay $0x4  }
0x2b: {  	vm10 =	vlt.u32 v18, $0xC8;
	v18 =	vshll.u32 v18, $0x7  }
0x2c: {  	v18 =	vor.u32 v4, v18;
	_ =	sdelay $0x4  }
0x2d: {  	[tilespmem:v18+s14+$0x0] =	vst.idx.msk vm10, v2  }
0x2e: {  	v18 =	vld [tilespmem:$0x30];
	_ =	sdelay $0x4  }
0x2f: {  	vm11 =	vlt.u32 v18, $0xC8;
	v18 =	vshll.u32 v18, $0x7  }
0x30: {  	v18 =	vor.u32 v5, v18;
	_ =	sdelay $0x4  }
0x31: {  	[tilespmem:v18+s14+$0x0] =	vst.idx.msk vm11, v2  }
0x32: {  	v18 =	vld [tilespmem:$0x40];
	_ =	sdelay $0x4  }
0x33: {  	vm12 =	vlt.u32 v18, $0xC8;
	v18 =	vshll.u32 v18, $0x7  }
0x34: {  	v18 =	vor.u32 v6, v18;
	_ =	sdelay $0x4  }
0x35: {  	[tilespmem:v18+s14+$0x0] =	vst.idx.msk vm12, v2  }
0x36: {  	v18 =	vld [tilespmem:$0x50];
	_ =	sdelay $0x4  }
0x37: {  	vm13 =	vlt.u32 v18, $0xC8;
	v18 =	vshll.u32 v18, $0x7  }
0x38: {  	v18 =	vor.u32 v7, v18;
	_ =	sdelay $0x4  }
0x39: {  	[tilespmem:v18+s14+$0x0] =	vst.idx.msk vm13, v2  }
0x3a: {  	v18 =	vld [tilespmem:$0x60];
	_ =	sdelay $0x4  }
0x3b: {  	vm14 =	vlt.u32 v18, $0xC8;
	v18 =	vshll.u32 v18, $0x7  }
0x3c: {  	v18 =	vor.u32 v8, v18;
	_ =	sdelay $0x4  }
0x3d: {  	[tilespmem:v18+s14+$0x0] =	vst.idx.msk vm14, v2  }
0x3e: {  	v18 =	vld [tilespmem:$0x70];
	_ =	sdelay $0x4  }
0x3f: {  	vm15 =	vlt.u32 v18, $0xC8;
	v18 =	vshll.u32 v18, $0x7  }
0x40: {  	v18 =	vor.u32 v9, v18;
	_ =	sdelay $0x4  }
0x41: {  	s19 =	simm.s32 $0x0;
	s20 =	simm.s32 $0x200;
	[tilespmem:v18+s14+$0x0] =	vst.idx.msk vm15, v2  }
0x42: {  	[hbm4b:s6+s10] =	stream.strided.scatter [tilespmem:s14], [sflag:$0x1], $0x6400, s11, s10, $0x38;
	[tilespmem:$0xD800] =	vst v63  }
.LBB2_4:
0x43: {  	p0 =	sne.s32 s20, $0x18E00;
	[tilespmem:s19+$0x7470] =	vst v0  }
0x44: {  	[tilespmem:s19+$0x7400] =	vst v0  }
0x45: {  	[tilespmem:s19+$0x7410] =	vst v0  }
.Ltmp1:
0x46: {  	[tilespmem:s19+$0x7420] =	vst v0;
	(pc) =	sbr.rel @p0 .LBB2_4-.Ltmp1, $4  }
0x47: {  	[tilespmem:s19+$0x7430] =	vst v0  }
0x48: {  	[tilespmem:s19+$0x7440] =	vst v0  }
0x49: {  	[tilespmem:s19+$0x7450] =	vst v0  }
0x4a: {  	[tilespmem:s19+$0x7460] =	vst v0;
	s19 =	sshra.s32 s20, $0x2;
	s20 =	sadd.s32 $0x200, s20  }
0x4b: {  	[tilespmem:s19+$0x7470] =	vst v0  }
0x4c: {  	[tilespmem:s19+$0x7400] =	vst v0  }
0x4d: {  	[tilespmem:s19+$0x7410] =	vst v0  }
0x4e: {  	[tilespmem:s19+$0x7420] =	vst v0  }
0x4f: {  	[tilespmem:s19+$0x7430] =	vst v0  }
0x50: {  	[tilespmem:s19+$0x7440] =	vst v0  }
0x51: {  	[tilespmem:s19+$0x7450] =	vst v0  }
0x52: {  	[tilespmem:s19+$0x7460] =	vst v0  }
0x53: {  	v18 =	vld [tilespmem:$0x0];
	_ =	sdelay $0x4  }
0x54: {  	v19 =	vadd.s32 $0xFFFFFF38, v18  }
0x55: {  	v18 =	vshll.u32 v18, $0x7;
	vm0 =	vlt.u32 v19, $0xC8  }
0x56: {  	v18 =	vadd.s32 v10, v18;
	_ =	sdelay $0x4  }
0x57: {  	[tilespmem:v18+s15+$0x0] =	vst.idx.msk vm0, v2  }
0x58: {  	v18 =	vld [tilespmem:$0x10];
	_ =	sdelay $0x4  }
0x59: {  	v19 =	vadd.s32 $0xFFFFFF38, v18  }
0x5a: {  	v18 =	vshll.u32 v18, $0x7;
	vm9 =	vlt.u32 v19, $0xC8  }
0x5b: {  	v18 =	vadd.s32 v11, v18;
	_ =	sdelay $0x4  }
0x5c: {  	[tilespmem:v18+s15+$0x0] =	vst.idx.msk vm9, v2  }
0x5d: {  	v18 =	vld [tilespmem:$0x20];
	_ =	sdelay $0x4  }
0x5e: {  	v19 =	vadd.s32 $0xFFFFFF38, v18  }
0x5f: {  	v18 =	vshll.u32 v18, $0x7;
	vm10 =	vlt.u32 v19, $0xC8  }
0x60: {  	v18 =	vadd.s32 v12, v18;
	_ =	sdelay $0x4  }
0x61: {  	[tilespmem:v18+s15+$0x0] =	vst.idx.msk vm10, v2  }
0x62: {  	v18 =	vld [tilespmem:$0x30];
	_ =	sdelay $0x4  }
0x63: {  	v19 =	vadd.s32 $0xFFFFFF38, v18  }
0x64: {  	v18 =	vshll.u32 v18, $0x7;
	vm11 =	vlt.u32 v19, $0xC8  }
0x65: {  	v18 =	vadd.s32 v13, v18;
	_ =	sdelay $0x4  }
0x66: {  	[tilespmem:v18+s15+$0x0] =	vst.idx.msk vm11, v2  }
0x67: {  	v18 =	vld [tilespmem:$0x40];
	_ =	sdelay $0x4  }
0x68: {  	v19 =	vadd.s32 $0xFFFFFF38, v18  }
0x69: {  	v18 =	vshll.u32 v18, $0x7;
	vm12 =	vlt.u32 v19, $0xC8  }
0x6a: {  	v18 =	vadd.s32 v14, v18;
	_ =	sdelay $0x4  }
0x6b: {  	[tilespmem:v18+s15+$0x0] =	vst.idx.msk vm12, v2  }
0x6c: {  	v18 =	vld [tilespmem:$0x50];
	_ =	sdelay $0x4  }
0x6d: {  	v19 =	vadd.s32 $0xFFFFFF38, v18  }
0x6e: {  	v18 =	vshll.u32 v18, $0x7;
	vm13 =	vlt.u32 v19, $0xC8  }
0x6f: {  	v18 =	vadd.s32 v15, v18;
	_ =	sdelay $0x4  }
0x70: {  	[tilespmem:v18+s15+$0x0] =	vst.idx.msk vm13, v2  }
0x71: {  	v18 =	vld [tilespmem:$0x60];
	_ =	sdelay $0x4  }
0x72: {  	v19 =	vadd.s32 $0xFFFFFF38, v18  }
0x73: {  	v18 =	vshll.u32 v18, $0x7;
	vm14 =	vlt.u32 v19, $0xC8  }
0x74: {  	v18 =	vadd.s32 v16, v18;
	_ =	sdelay $0x4  }
0x75: {  	[tilespmem:v18+s15+$0x0] =	vst.idx.msk vm14, v2  }
0x76: {  	v18 =	vld [tilespmem:$0x70];
	_ =	sdelay $0x4  }
0x77: {  	v19 =	vadd.s32 $0xFFFFFF38, v18  }
0x78: {  	v18 =	vshll.u32 v18, $0x7;
	vm15 =	vlt.u32 v19, $0xC8  }
0x79: {  	v18 =	vadd.s32 v17, v18;
	_ =	sdelay $0x4  }
0x7a: {  	s19 =	simm.s32 $0x1;
	[tilespmem:v18+s15+$0x0] =	vst.idx.msk vm15, v2  }
0x7b: {  	[hbm4b:s8+s10] =	stream.strided.scatter [tilespmem:s15], [sflag:$0x2], $0x6400, s11, s10, $0x38;
	[tilespmem:$0xD800] =	vst v63  }
.LBB2_6:
0x7c: {  	s20 =	sshll.u32 s19, $0x1  }
0x7d: {  	s21 =	sadd.s32 $0xFFFFFFFE, s20  }
0x7e: {  	s22 =	sshll.u32 s21, $0x18  }
0x7f: {  	s22 =	sshra.s32 s22, $0x18  }
0x80: {  	s22 =	smul.u32 $0x67, s22;
	_ =	sdelay $0x1  }
0x81: {  	s23 =	sshrl.u32 s22, $0x1F;
	s22 =	sshra.s32 s22, $0x9  }
0x82: {  	s22 =	sadd.s32 s23, s22  }
0x83: {  	s23 =	smul.u32 $0xFFFFFFFB, s22;
	_ =	sdelay $0x1  }
0x84: {  	s21 =	sadd.s32 s21, s23  }
0x85: {  	s23 =	sand.u32 $0xFF, s21  }
0x86: {  	p0 =	slt.u32 s19, $0x2;
	p1 =	sne.s32 s23, $0x0  }
0x87: {  	p0 =	por !p0, !p1  }
0x88: {  	s23 =	simm.s32 $0x1;
	p0 =	por !p0, !p0  }
0x89: {  	s23 =	simm.s32 @!p0 $0x0  }
0x8a: {  	_ =	swait.ge [sflag:s16], $0x6400;
	s22 =	ssub.s32 s22, s23  }
0x8b: {  	[sflag:s16] =	ssyncset.done $0x0;
	s21 =	sshll.u32 s21, $0x18;
	s22 =	sshll.u32 s22, $0x9  }
0x8c: {  	[sflag:s16] =	ssyncadd.s32 $0xFFFF9C00;
	s21 =	sshra.s32 s21, $0x18;
	s22 =	sshra.s32 s22, $0x2  }
0x8d: {  	p0 =	slt.s32 s21, $0x0;
	s23 =	sadd.s32 $0x5, s21;
	v18 =	vld [tilespmem:s22+$0x0]  }
0x8e: {  	s21 =	smov.u32 @p0 s23  }
0x8f: {  	s21 =	smul.u32 $0xC8, s21;
	_ =	sdelay $0x1  }
0x90: {  	v19 =	vmov s21  }
0x91: {  	v18 =	vsub.s32 v18, v19  }
0x92: {  	vm0 =	vlt.u32 v18, $0xC8;
	v18 =	vshll.u32 v18, $0x7  }
0x93: {  	v18 =	vor.u32 v1, v18;
	_ =	sdelay $0x4  }
0x94: {  	[tilespmem:v18+s14+$0x0] =	vst.idx.msk vm0, v0  }
0x95: {  	v18 =	vld [tilespmem:s22+$0x10];
	_ =	sdelay $0x4  }
0x96: {  	v18 =	vsub.s32 v18, v19  }
0x97: {  	vm9 =	vlt.u32 v18, $0xC8;
	v18 =	vshll.u32 v18, $0x7  }
0x98: {  	v18 =	vor.u32 v3, v18;
	_ =	sdelay $0x4  }
0x99: {  	[tilespmem:v18+s14+$0x0] =	vst.idx.msk vm9, v0  }
0x9a: {  	v18 =	vld [tilespmem:s22+$0x20];
	_ =	sdelay $0x4  }
0x9b: {  	v18 =	vsub.s32 v18, v19  }
0x9c: {  	vm10 =	vlt.u32 v18, $0xC8;
	v18 =	vshll.u32 v18, $0x7  }
0x9d: {  	v18 =	vor.u32 v4, v18;
	_ =	sdelay $0x4  }
0x9e: {  	[tilespmem:v18+s14+$0x0] =	vst.idx.msk vm10, v0  }
0x9f: {  	v18 =	vld [tilespmem:s22+$0x30];
	_ =	sdelay $0x4  }
0xa0: {  	v18 =	vsub.s32 v18, v19  }
0xa1: {  	vm11 =	vlt.u32 v18, $0xC8;
	v18 =	vshll.u32 v18, $0x7  }
0xa2: {  	v18 =	vor.u32 v5, v18;
	_ =	sdelay $0x4  }
0xa3: {  	[tilespmem:v18+s14+$0x0] =	vst.idx.msk vm11, v0  }
0xa4: {  	v18 =	vld [tilespmem:s22+$0x40];
	_ =	sdelay $0x4  }
0xa5: {  	v18 =	vsub.s32 v18, v19  }
0xa6: {  	vm12 =	vlt.u32 v18, $0xC8;
	v18 =	vshll.u32 v18, $0x7  }
0xa7: {  	v18 =	vor.u32 v6, v18;
	_ =	sdelay $0x4  }
0xa8: {  	[tilespmem:v18+s14+$0x0] =	vst.idx.msk vm12, v0  }
0xa9: {  	v18 =	vld [tilespmem:s22+$0x50];
	_ =	sdelay $0x4  }
0xaa: {  	v18 =	vsub.s32 v18, v19  }
0xab: {  	vm13 =	vlt.u32 v18, $0xC8;
	v18 =	vshll.u32 v18, $0x7  }
0xac: {  	v18 =	vor.u32 v7, v18;
	_ =	sdelay $0x4  }
0xad: {  	[tilespmem:v18+s14+$0x0] =	vst.idx.msk vm13, v0  }
0xae: {  	v18 =	vld [tilespmem:s22+$0x60];
	_ =	sdelay $0x4  }
0xaf: {  	v18 =	vsub.s32 v18, v19  }
0xb0: {  	vm14 =	vlt.u32 v18, $0xC8;
	v18 =	vshll.u32 v18, $0x7  }
0xb1: {  	v18 =	vor.u32 v8, v18;
	_ =	sdelay $0x4  }
0xb2: {  	[tilespmem:v18+s14+$0x0] =	vst.idx.msk vm14, v0  }
0xb3: {  	v18 =	vld [tilespmem:s22+$0x70];
	_ =	sdelay $0x4  }
0xb4: {  	v18 =	vsub.s32 v18, v19  }
0xb5: {  	vm15 =	vlt.u32 v18, $0xC8;
	v18 =	vshll.u32 v18, $0x7  }
0xb6: {  	s28 =	sand.u32 $0xFE, s20;
	v18 =	vor.u32 v9, v18  }
0xb7: {  	s21 =	smul.u32 $0xCD, s28;
	_ =	sdelay $0x1  }
0xb8: {  	s21 =	sshrl.u32 s21, $0xA  }
0xb9: {  	s29 =	smul.u32 $0x5, s21  }
0xba: {  	s30 =	sshll.u32 s21, $0x7;
	[tilespmem:v18+s14+$0x0] =	vst.idx.msk vm15, v0  }
0xbb: {  	s22 =	ssub.s32 s20, s29;
	v18 =	vld [tilespmem:s30+$0x0]  }
0xbc: {  	s22 =	sand.u32 $0xFF, s22  }
0xbd: {  	s24 =	smul.u32 $0xC8, s22;
	_ =	sdelay $0x1  }
0xbe: {  	v19 =	vmov s24  }
0xbf: {  	v18 =	vsub.s32 v18, v19  }
0xc0: {  	vm4 =	vlt.u32 v18, $0xC8;
	v18 =	vshll.u32 v18, $0x7  }
0xc1: {  	v18 =	vor.u32 v1, v18;
	_ =	sdelay $0x4  }
0xc2: {  	[tilespmem:v18+s14+$0x0] =	vst.idx.msk vm4, v2  }
0xc3: {  	v18 =	vld [tilespmem:s30+$0x10];
	_ =	sdelay $0x4  }
0xc4: {  	v18 =	vsub.s32 v18, v19  }
0xc5: {  	vm5 =	vlt.u32 v18, $0xC8;
	v18 =	vshll.u32 v18, $0x7  }
0xc6: {  	v18 =	vor.u32 v3, v18;
	_ =	sdelay $0x4  }
0xc7: {  	[tilespmem:v18+s14+$0x0] =	vst.idx.msk vm5, v2  }
0xc8: {  	v18 =	vld [tilespmem:s30+$0x20];
	_ =	sdelay $0x4  }
0xc9: {  	v18 =	vsub.s32 v18, v19  }
0xca: {  	vm6 =	vlt.u32 v18, $0xC8;
	v18 =	vshll.u32 v18, $0x7  }
0xcb: {  	v18 =	vor.u32 v4, v18;
	_ =	sdelay $0x4  }
0xcc: {  	[tilespmem:v18+s14+$0x0] =	vst.idx.msk vm6, v2  }
0xcd: {  	v18 =	vld [tilespmem:s30+$0x30];
	_ =	sdelay $0x4  }
0xce: {  	v18 =	vsub.s32 v18, v19  }
0xcf: {  	vm7 =	vlt.u32 v18, $0xC8;
	v18 =	vshll.u32 v18, $0x7  }
0xd0: {  	v18 =	vor.u32 v5, v18;
	_ =	sdelay $0x4  }
0xd1: {  	[tilespmem:v18+s14+$0x0] =	vst.idx.msk vm7, v2  }
0xd2: {  	v18 =	vld [tilespmem:s30+$0x40];
	_ =	sdelay $0x4  }
0xd3: {  	v18 =	vsub.s32 v18, v19  }
0xd4: {  	vm8 =	vlt.u32 v18, $0xC8;
	v18 =	vshll.u32 v18, $0x7  }
0xd5: {  	v18 =	vor.u32 v6, v18;
	_ =	sdelay $0x4  }
0xd6: {  	[tilespmem:v18+s14+$0x0] =	vst.idx.msk vm8, v2  }
0xd7: {  	v18 =	vld [tilespmem:s30+$0x50];
	_ =	sdelay $0x4  }
0xd8: {  	v18 =	vsub.s32 v18, v19  }
0xd9: {  	vm9 =	vlt.u32 v18, $0xC8;
	v18 =	vshll.u32 v18, $0x7  }
0xda: {  	v18 =	vor.u32 v7, v18;
	_ =	sdelay $0x4  }
0xdb: {  	[tilespmem:v18+s14+$0x0] =	vst.idx.msk vm9, v2  }
0xdc: {  	v18 =	vld [tilespmem:s30+$0x60];
	_ =	sdelay $0x4  }
0xdd: {  	v18 =	vsub.s32 v18, v19  }
0xde: {  	vm10 =	vlt.u32 v18, $0xC8;
	v18 =	vshll.u32 v18, $0x7  }
0xdf: {  	v18 =	vor.u32 v8, v18;
	_ =	sdelay $0x4  }
0xe0: {  	[tilespmem:v18+s14+$0x0] =	vst.idx.msk vm10, v2  }
0xe1: {  	v18 =	vld [tilespmem:s30+$0x70];
	_ =	sdelay $0x4  }
0xe2: {  	s20 =	sadd.s32 $0xFFFFFFFF, s20;
	v18 =	vsub.s32 v18, v19  }
0xe3: {  	s21 =	smul.u32 $0x3E8000, s21;
	s31 =	sshll.u32 s20, $0x18;
	vm11 =	vlt.u32 v18, $0xC8;
	v18 =	vshll.u32 v18, $0x7  }
0xe4: {  	s22 =	smul.u32 $0xC8000, s22;
	s23 =	sshra.s32 s31, $0x18;
	v18 =	vor.u32 v9, v18  }
0xe5: {  	s23 =	smul.u32 $0x67, s23  }
0xe6: {  	s21 =	sadd.s32 s22, s21  }
0xe7: {  	s21 =	sor.u32 s4, s21;
	s24 =	sshrl.u32 s23, $0x1F;
	s23 =	sshra.s32 s23, $0x9  }
0xe8: {  	s21 =	sshrl.u32 s21, $0x3;
	s22 =	sadd.s32 s24, s23  }
0xe9: {  	s21 =	sadd.s32 s2, s21;
	s23 =	smul.u32 $0xFFFFFFFB, s22;
	[tilespmem:v18+s14+$0x0] =	vst.idx.msk vm11, v2  }
0xea: {  	[hbm4b:s21+s10] =	stream.strided.scatter [tilespmem:s14], [sflag:$0x1], $0x6400, s11, s10, $0x38;
	[tilespmem:$0xD800] =	vst v63  }
0xeb: {  	s20 =	sadd.s32 s20, s23;
	_ =	swait.ge [sflag:s17], $0x6400  }
0xec: {  	s25 =	sshll.u32 s22, $0x9;
	s20 =	sshll.u32 s20, $0x18;
	[sflag:s17] =	ssyncset.done $0x0  }
0xed: {  	s20 =	sshra.s32 s20, $0x18;
	s21 =	sshra.s32 s25, $0x2;
	[sflag:s17] =	ssyncadd.s32 $0xFFFF9C00  }
0xee: {  	p0 =	slt.s32 s20, $0x0;
	s22 =	sadd.s32 $0x5, s20;
	v18 =	vld [tilespmem:s21+$0x0]  }
0xef: {  	s20 =	smov.u32 @p0 s22  }
0xf0: {  	s20 =	smul.u32 $0xC8, s20;
	_ =	sdelay $0x1  }
0xf1: {  	v19 =	vmov s20  }
0xf2: {  	v18 =	vsub.s32 v18, v19  }
0xf3: {  	vm12 =	vlt.u32 v18, $0xC8;
	v18 =	vshll.u32 v18, $0x7  }
0xf4: {  	v18 =	vor.u32 v1, v18;
	_ =	sdelay $0x4  }
0xf5: {  	[tilespmem:v18+s15+$0x0] =	vst.idx.msk vm12, v0  }
0xf6: {  	v18 =	vld [tilespmem:s21+$0x10];
	_ =	sdelay $0x4  }
0xf7: {  	v18 =	vsub.s32 v18, v19  }
0xf8: {  	vm13 =	vlt.u32 v18, $0xC8;
	v18 =	vshll.u32 v18, $0x7  }
0xf9: {  	v18 =	vor.u32 v3, v18;
	_ =	sdelay $0x4  }
0xfa: {  	[tilespmem:v18+s15+$0x0] =	vst.idx.msk vm13, v0  }
0xfb: {  	v18 =	vld [tilespmem:s21+$0x20];
	_ =	sdelay $0x4  }
0xfc: {  	v18 =	vsub.s32 v18, v19  }
0xfd: {  	vm14 =	vlt.u32 v18, $0xC8;
	v18 =	vshll.u32 v18, $0x7  }
0xfe: {  	v18 =	vor.u32 v4, v18;
	_ =	sdelay $0x4  }
0xff: {  	[tilespmem:v18+s15+$0x0] =	vst.idx.msk vm14, v0  }
0x100: {  	v18 =	vld [tilespmem:s21+$0x30];
	_ =	sdelay $0x4  }
0x101: {  	v18 =	vsub.s32 v18, v19  }
0x102: {  	vm15 =	vlt.u32 v18, $0xC8;
	v18 =	vshll.u32 v18, $0x7  }
0x103: {  	v18 =	vor.u32 v5, v18;
	_ =	sdelay $0x4  }
0x104: {  	[tilespmem:v18+s15+$0x0] =	vst.idx.msk vm15, v0  }
0x105: {  	v18 =	vld [tilespmem:s21+$0x40];
	_ =	sdelay $0x4  }
0x106: {  	v18 =	vsub.s32 v18, v19  }
0x107: {  	vm4 =	vlt.u32 v18, $0xC8;
	v18 =	vshll.u32 v18, $0x7  }
0x108: {  	v18 =	vor.u32 v6, v18;
	_ =	sdelay $0x4  }
0x109: {  	[tilespmem:v18+s15+$0x0] =	vst.idx.msk vm4, v0  }
0x10a: {  	v18 =	vld [tilespmem:s21+$0x50];
	_ =	sdelay $0x4  }
0x10b: {  	v18 =	vsub.s32 v18, v19  }
0x10c: {  	vm5 =	vlt.u32 v18, $0xC8;
	v18 =	vshll.u32 v18, $0x7  }
0x10d: {  	v18 =	vor.u32 v7, v18;
	_ =	sdelay $0x4  }
0x10e: {  	[tilespmem:v18+s15+$0x0] =	vst.idx.msk vm5, v0  }
0x10f: {  	v18 =	vld [tilespmem:s21+$0x60];
	_ =	sdelay $0x4  }
0x110: {  	v18 =	vsub.s32 v18, v19  }
0x111: {  	vm6 =	vlt.u32 v18, $0xC8;
	v18 =	vshll.u32 v18, $0x7  }
0x112: {  	v18 =	vor.u32 v8, v18;
	_ =	sdelay $0x4  }
0x113: {  	[tilespmem:v18+s15+$0x0] =	vst.idx.msk vm6, v0  }
0x114: {  	v18 =	vld [tilespmem:s21+$0x70];
	_ =	sdelay $0x4  }
0x115: {  	v18 =	vsub.s32 v18, v19  }
0x116: {  	s26 =	sshllo.u32 s19, $0x1;
	vm7 =	vlt.u32 v18, $0xC8;
	v18 =	vshll.u32 v18, $0x7  }
0x117: {  	s28 =	sand.u32 $0xFF, s26;
	v18 =	vor.u32 v9, v18  }
0x118: {  	s21 =	smul.u32 $0xCD, s28;
	_ =	sdelay $0x1  }
0x119: {  	s21 =	sshrl.u32 s21, $0xA  }
0x11a: {  	s29 =	smul.u32 $0x5, s21  }
0x11b: {  	s30 =	sshll.u32 s21, $0x7;
	[tilespmem:v18+s15+$0x0] =	vst.idx.msk vm7, v0  }
0x11c: {  	s20 =	ssub.s32 s26, s29;
	v18 =	vld [tilespmem:s30+$0x0]  }
0x11d: {  	s20 =	sand.u32 $0xFF, s20  }
0x11e: {  	s31 =	smul.u32 $0xC8, s20;
	_ =	sdelay $0x1  }
0x11f: {  	v19 =	vmov s31  }
0x120: {  	v18 =	vsub.s32 v18, v19  }
0x121: {  	vm8 =	vlt.u32 v18, $0xC8;
	v18 =	vshll.u32 v18, $0x7  }
0x122: {  	v18 =	vor.u32 v1, v18;
	_ =	sdelay $0x4  }
0x123: {  	[tilespmem:v18+s15+$0x0] =	vst.idx.msk vm8, v2  }
0x124: {  	v18 =	vld [tilespmem:s30+$0x10];
	_ =	sdelay $0x4  }
0x125: {  	v18 =	vsub.s32 v18, v19  }
0x126: {  	vm9 =	vlt.u32 v18, $0xC8;
	v18 =	vshll.u32 v18, $0x7  }
0x127: {  	v18 =	vor.u32 v3, v18;
	_ =	sdelay $0x4  }
0x128: {  	[tilespmem:v18+s15+$0x0] =	vst.idx.msk vm9, v2  }
0x129: {  	v18 =	vld [tilespmem:s30+$0x20];
	_ =	sdelay $0x4  }
0x12a: {  	v18 =	vsub.s32 v18, v19  }
0x12b: {  	vm10 =	vlt.u32 v18, $0xC8;
	v18 =	vshll.u32 v18, $0x7  }
0x12c: {  	v18 =	vor.u32 v4, v18;
	_ =	sdelay $0x4  }
0x12d: {  	[tilespmem:v18+s15+$0x0] =	vst.idx.msk vm10, v2  }
0x12e: {  	v18 =	vld [tilespmem:s30+$0x30];
	_ =	sdelay $0x4  }
0x12f: {  	v18 =	vsub.s32 v18, v19  }
0x130: {  	vm11 =	vlt.u32 v18, $0xC8;
	v18 =	vshll.u32 v18, $0x7  }
0x131: {  	v18 =	vor.u32 v5, v18;
	_ =	sdelay $0x4  }
0x132: {  	[tilespmem:v18+s15+$0x0] =	vst.idx.msk vm11, v2  }
0x133: {  	v18 =	vld [tilespmem:s30+$0x40];
	_ =	sdelay $0x4  }
0x134: {  	v18 =	vsub.s32 v18, v19  }
0x135: {  	vm12 =	vlt.u32 v18, $0xC8;
	v18 =	vshll.u32 v18, $0x7  }
0x136: {  	v18 =	vor.u32 v6, v18;
	_ =	sdelay $0x4  }
0x137: {  	[tilespmem:v18+s15+$0x0] =	vst.idx.msk vm12, v2  }
0x138: {  	v18 =	vld [tilespmem:s30+$0x50];
	_ =	sdelay $0x4  }
0x139: {  	v18 =	vsub.s32 v18, v19  }
0x13a: {  	vm13 =	vlt.u32 v18, $0xC8;
	v18 =	vshll.u32 v18, $0x7  }
0x13b: {  	v18 =	vor.u32 v7, v18;
	_ =	sdelay $0x4  }
0x13c: {  	[tilespmem:v18+s15+$0x0] =	vst.idx.msk vm13, v2  }
0x13d: {  	v18 =	vld [tilespmem:s30+$0x60];
	_ =	sdelay $0x4  }
0x13e: {  	v18 =	vsub.s32 v18, v19  }
0x13f: {  	vm14 =	vlt.u32 v18, $0xC8;
	v18 =	vshll.u32 v18, $0x7  }
0x140: {  	v18 =	vor.u32 v8, v18;
	_ =	sdelay $0x4  }
0x141: {  	[tilespmem:v18+s15+$0x0] =	vst.idx.msk vm14, v2  }
0x142: {  	v18 =	vld [tilespmem:s30+$0x70];
	_ =	sdelay $0x4  }
0x143: {  	v18 =	vsub.s32 v18, v19  }
0x144: {  	s21 =	smul.u32 $0x3E8000, s21;
	vm15 =	vlt.u32 v18, $0xC8;
	v18 =	vshll.u32 v18, $0x7  }
0x145: {  	s20 =	smul.u32 $0xC8000, s20;
	v18 =	vor.u32 v9, v18  }
0x146: {  	p0 =	sne.s32 s19, $0x40  }
.Ltmp2:
0x147: {  	s20 =	sadd.s32 s20, s21;
	(pc) =	sbr.rel @p0 .LBB2_6-.Ltmp2, $4  }
0x148: {  	s20 =	sor.u32 s4, s20  }
0x149: {  	s20 =	sshrl.u32 s20, $0x3  }
0x14a: {  	s19 =	sadd.s32 $0x1, s19;
	s20 =	sadd.s32 s2, s20;
	[tilespmem:v18+s15+$0x0] =	vst.idx.msk vm15, v2  }
0x14b: {  	[hbm4b:s20+s10] =	stream.strided.scatter [tilespmem:s15], [sflag:$0x2], $0x6400, s11, s10, $0x38;
	[tilespmem:$0xD800] =	vst v63  }
0x14c: {  	s18 =	sadd.s32 $0x1, s18  }
0x14d: {  	_ =	swait.ge [sflag:s16], $0x6400;
	p0 =	sne.s32 s18, s9  }
.Ltmp3:
0x14e: {  	[sflag:s16] =	ssyncset.done $0x0;
	(pc) =	sbr.rel @p0 .LBB2_1-.Ltmp3, $4  }
0x14f: {  	[sflag:s16] =	ssyncadd.s32 $0xFFFF9C00  }
0x150: {  	_ =	swait.ge [sflag:s17], $0x6400  }
0x151: {  	[sflag:s17] =	ssyncset.done $0x0  }
0x152: {  	[sflag:s17] =	ssyncadd.s32 $0xFFFF9C00  }
0x153: {  	_ =	sfence.sel $0x180000  }
0x154: {  	[bflag:$0x0] =	sbarrier.arrive $0xFFFF  }
0x155: {  	p0 =	sne.s32 s1, $0x0;
	_ =	strace $0x90000047  }
0x156: {  	s0 =	sadd.s32 @!p0 $0x100000, s0;
	[bflag:$0x2] =	sbarrier.arrive $0xFFFF  }
0x157: {  	[sflag:s0] =	ssyncadd.tile.s32 @!p0 $0x1;
	_ =	shalt  }
.Lfunc_end2:
_tile_overlayer_lowered:
.L_overlay_start_2:
0x158: {  	(tag) =	ssettag $0x2  }
0x159: {  	s0 =	rddreg [dreg:$0x0];
	s2 =	stileid.u32  }
0x15a: {  	s1 =	rddreg [dreg:$0x1];
	p0 =	sne.s32 s2, $0x0  }
0x15b: {  	s3 =	rddreg [dreg:$0x2];
	[bflag:$0x3] =	sbarrier.arrive $0xFFFF;
	s2 =	simm.s32 @!p0 $0x1C03  }
0x15c: {  	[timem:s3], [sflag:s2] =	dma.local @!p0 [hbm:s0], s1  }
0x15d: {  	s0 =	simm.s32 @!p0 $0x3  }
0x15e: {  	_ =	swait.ge @!p0 [sflag:s0], s1  }
0x15f: {  	s1 =	ssub.s32 @!p0 $0x0, s1;
	[sflag:s0] =	ssyncset.done @!p0 $0x0  }
0x160: {  	[sflag:s0] =	ssyncadd.s32 @!p0 s1  }
0x161: {  	[bflag:$0x3] =	sbarrier.arrive $0xFFFF  }
0x162: {  	_ =	shalt  }

</sc_bundles>
